<compile_context>
chip_gen: v7x
topology: tpu7x:2x2x1
jax: 0.10.2.dev20260603
libtpu: 0.0.44.dev20260713+nightly
codegen_flags: <defaults>
</compile_context>

<pallas_src>
import functools

import jax
import jax.numpy as jnp
import numpy as np
from jax import lax
from jax.experimental import pallas as pl
from jax.experimental.pallas import tpu as pltpu
from jax.experimental.pallas import tpu_sc as plsc

_B = 16
_N = 2048
_D = 512

_NC = 2
_NS = 16
_NW = _NC * _NS

_ROWS = _B * _N
_ROWS_PER_W = _ROWS // _NW
_CHUNK = 64
_NCHUNK = _ROWS_PER_W // _CHUNK


def _threefry2x32(k1, k2, x1, x2):
    rot = ([13, 15, 26, 6], [17, 29, 16, 24])
    with np.errstate(over="ignore"):
        ks = [k1, k2, np.uint32(k1 ^ k2 ^ np.uint32(0x1BD11BDA))]
        x = [(x1 + ks[0]).astype(np.uint32), (x2 + ks[1]).astype(np.uint32)]
        for d in range(5):
            for r in rot[d % 2]:
                x[0] = (x[0] + x[1]).astype(np.uint32)
                x[1] = ((x[1] << np.uint32(r))
                        | (x[1] >> np.uint32(32 - r))).astype(np.uint32)
                x[1] = x[0] ^ x[1]
            x[0] = (x[0] + ks[(d + 1) % 3]).astype(np.uint32)
            x[1] = (x[1] + ks[(d + 2) % 3] + np.uint32(d + 1)).astype(np.uint32)
    return x[0], x[1]


def _compute_perm(seed: int, n: int) -> np.ndarray:
    key = (np.uint32(seed >> 32), np.uint32(seed & 0xFFFFFFFF))
    x = np.arange(n)
    num_rounds = int(np.ceil(3 * np.log(max(1, n))
                             / np.log(np.iinfo(np.uint32).max)))
    for _ in range(num_rounds):
        b1, b2 = _threefry2x32(*key, np.zeros(2, np.uint32),
                               np.arange(2, dtype=np.uint32))
        key = (b1[0], b2[0])
        s1, s2 = _threefry2x32(b1[1], b2[1], np.zeros(n, np.uint32),
                               np.arange(n, dtype=np.uint32))
        x = x[np.argsort(s1 ^ s2, kind="stable")]
    return x


_PERM = _compute_perm(1234, _N)
_INV_PERM = np.argsort(_PERM)
_DST = np.ascontiguousarray(
    (_INV_PERM[None, :] + np.arange(_B, dtype=np.int64)[:, None] * _N)
    .reshape(_ROWS // _CHUNK, _CHUNK).astype(np.int32))


@functools.partial(
    pl.kernel,
    out_type=jax.ShapeDtypeStruct((_ROWS, _D), jnp.float32),
    mesh=plsc.VectorSubcoreMesh(
        core_axis_name="c", subcore_axis_name="s",
        num_cores=_NC, num_subcores=_NS,
    ),
    scratch_types=[
        pltpu.VMEM((_NCHUNK, _CHUNK), jnp.int32),
        pltpu.VMEM((_CHUNK, _D), jnp.float32),
        pltpu.VMEM((_CHUNK, _D), jnp.float32),
        pltpu.VMEM((_CHUNK, _D), jnp.float32),
        pltpu.SemaphoreType.DMA,
        pltpu.SemaphoreType.DMA,
        pltpu.SemaphoreType.DMA,
        pltpu.SemaphoreType.DMA,
        pltpu.SemaphoreType.DMA,
        pltpu.SemaphoreType.DMA,
    ],
)
def _permute_rows(x_hbm, idx_hbm, out_hbm, idx_v, rows0, rows1, rows2,
                  gsem0, gsem1, gsem2, ssem0, ssem1, ssem2):
    wid = lax.axis_index("s") * _NC + lax.axis_index("c")
    base = wid * _ROWS_PER_W
    rows = (rows0, rows1, rows2)
    gsem = (gsem0, gsem1, gsem2)
    ssem = (ssem0, ssem1, ssem2)
    nbuf = 3
    g = [None] * _NCHUNK
    s = [None] * _NCHUNK

    def start_load(c):
        b = c % nbuf
        g[c] = pltpu.async_copy(
            x_hbm.at[pl.ds(base + c * _CHUNK, _CHUNK)], rows[b], gsem[b])

    for c in range(nbuf - 1):
        start_load(c)
    pltpu.sync_copy(idx_hbm.at[pl.ds(wid * _NCHUNK, _NCHUNK)], idx_v)
    for c in range(_NCHUNK):
        b = c % nbuf
        if c + nbuf - 1 < _NCHUNK:
            if c >= 1:
                s[c - 1].wait()
            start_load(c + nbuf - 1)
        g[c].wait()
        s[c] = pltpu.async_copy(rows[b], out_hbm.at[idx_v.at[c]], ssem[b])
    for c in range(max(0, _NCHUNK - nbuf), _NCHUNK):
        s[c].wait()


def kernel(x):
    idx = jnp.asarray(_DST)
    out = _permute_rows(x.reshape(_ROWS, _D), idx)
    return out.reshape(_B, _N, _D)

# --- scband reference (transcript-rebuilt; emitter-appended) ---
"""Pipeline reference for scband-augmentaion-41841571397814 (READ-ONLY COPY).

The authoritative reference and input builder live on the scoring server;
editing this copy changes nothing except your own understanding.
"""

import jax, jax.numpy as jnp
import numpy as np


def setup_inputs(seed: int = 0) -> dict:
    key = jax.random.key(seed)
    x = jax.random.normal(key, (16, 2048, 512), dtype=jnp.float32)
    return {"x": x}


def reference(x):
    # Faithful translation of the torch module: permute the rows (axis 1)
    # of x with a random permutation of size n, shared across the batch.
    n = x.shape[1]
    perm_key = jax.random.key(1234)
    permuted_indices = jax.random.permutation(perm_key, n)
    x_permuted = jnp.take(x, permuted_indices, axis=1)
    return x_permuted

if __name__ == "__main__":
    import jax
    _d = setup_inputs()
    print(jax.jit(kernel)(*tuple(_d.values())))

</pallas_src>

<mosaic_0001>
#map = affine_map<(d0, d1) -> (0, 0)>
module attributes {stable_mosaic.version = 14 : i64} {
  func.func @_permute_rows(%arg0: i32, %arg1: i32, %arg2: memref<32768x512xf32, #tpu.memory_space<hbm>>, %arg3: memref<512x64xi32, #tpu.memory_space<hbm>>, %arg4: memref<32768x512xf32, #tpu.memory_space<hbm>>, %arg5: memref<16x64xi32, #tpu.memory_space<vmem>>, %arg6: memref<64x512xf32, #tpu.memory_space<vmem>>, %arg7: memref<64x512xf32, #tpu.memory_space<vmem>>, %arg8: memref<64x512xf32, #tpu.memory_space<vmem>>, %arg9: memref<!tpu.dma_semaphore, #tpu.memory_space<semaphore_mem>>, %arg10: memref<!tpu.dma_semaphore, #tpu.memory_space<semaphore_mem>>, %arg11: memref<!tpu.dma_semaphore, #tpu.memory_space<semaphore_mem>>, %arg12: memref<!tpu.dma_semaphore, #tpu.memory_space<semaphore_mem>>, %arg13: memref<!tpu.dma_semaphore, #tpu.memory_space<semaphore_mem>>, %arg14: memref<!tpu.dma_semaphore, #tpu.memory_space<semaphore_mem>>) attributes {dimension_semantics = [#tpu.dimension_semantics<core_parallel>, #tpu.dimension_semantics<subcore_parallel>], iteration_bounds = array<i64: 2, 16>, scalar_prefetch = 0 : i64, scratch_operands = 10 : i64, tpu.core_type = #tpu.core_type<sc_vector_subcore>, window_params = [{transform_indices = #map}, {transform_indices = #map}, {transform_indices = #map}]} {
    %mul3A = arith.constant 2 : i32
    %mul3A_0 = arith.muli %arg1, %mul3A : i32
    %add3A = arith.addi %mul3A_0, %arg0 : i32
    %mul3A_1 = arith.constant 1024 : i32
    %mul3A_2 = arith.muli %add3A, %mul3A_1 : i32
    %add3A_3 = arith.constant 0 : i32
    %add3A_4 = arith.addi %mul3A_2, %add3A_3 : i32
    %dma_start3A = arith.constant 0 : i32
    %dma_start3A_5 = tpu.memref_slice %arg2[%add3A_4, %dma_start3A] : memref<32768x512xf32, #tpu.memory_space<hbm>> -> memref<64x512xf32, #tpu.memory_space<hbm>>
    %dma_start3A_6 = arith.constant 0 : i32
    %dma_start3A_7 = tpu.memref_slice %arg2[%add3A_4, %dma_start3A_6] : memref<32768x512xf32, #tpu.memory_space<hbm>> -> memref<64x512xf32, #tpu.memory_space<hbm>>
    tpu.enqueue_dma source(%dma_start3A_7 : memref<64x512xf32, #tpu.memory_space<hbm>>) target(%arg6 : memref<64x512xf32, #tpu.memory_space<vmem>>) target_semaphore(%arg9 : memref<!tpu.dma_semaphore, #tpu.memory_space<semaphore_mem>>)
    %add3A_8 = arith.constant 64 : i32
    %add3A_9 = arith.addi %mul3A_2, %add3A_8 : i32
    %dma_start3A_10 = arith.constant 0 : i32
    %dma_start3A_11 = tpu.memref_slice %arg2[%add3A_9, %dma_start3A_10] : memref<32768x512xf32, #tpu.memory_space<hbm>> -> memref<64x512xf32, #tpu.memory_space<hbm>>
    %dma_start3A_12 = arith.constant 0 : i32
    %dma_start3A_13 = tpu.memref_slice %arg2[%add3A_9, %dma_start3A_12] : memref<32768x512xf32, #tpu.memory_space<hbm>> -> memref<64x512xf32, #tpu.memory_space<hbm>>
    tpu.enqueue_dma source(%dma_start3A_13 : memref<64x512xf32, #tpu.memory_space<hbm>>) target(%arg7 : memref<64x512xf32, #tpu.memory_space<vmem>>) target_semaphore(%arg10 : memref<!tpu.dma_semaphore, #tpu.memory_space<semaphore_mem>>)
    %mul3A_14 = arith.constant 16 : i32
    %mul3A_15 = arith.muli %add3A, %mul3A_14 : i32
    "tpu.region"() ({
      %run_scoped3A = tpu.sem_alloc : memref<!tpu.dma_semaphore, #tpu.memory_space<semaphore_mem>>
      %dma_start3A_387 = arith.constant 0 : i32
      %dma_start3A_388 = tpu.memref_slice %arg3[%mul3A_15, %dma_start3A_387] : memref<512x64xi32, #tpu.memory_space<hbm>> -> memref<16x64xi32, #tpu.memory_space<hbm>>
      %dma_start3A_389 = arith.constant 0 : i32
      %dma_start3A_390 = tpu.memref_slice %arg3[%mul3A_15, %dma_start3A_389] : memref<512x64xi32, #tpu.memory_space<hbm>> -> memref<16x64xi32, #tpu.memory_space<hbm>>
      tpu.enqueue_dma source(%dma_start3A_390 : memref<16x64xi32, #tpu.memory_space<hbm>>) target(%arg5 : memref<16x64xi32, #tpu.memory_space<vmem>>) target_semaphore(%run_scoped3A : memref<!tpu.dma_semaphore, #tpu.memory_space<semaphore_mem>>)
      %dma_wait3A_391 = arith.constant 0 : i32
      %dma_wait3A_392 = tpu.memref_slice %arg3[%mul3A_15, %dma_wait3A_391] : memref<512x64xi32, #tpu.memory_space<hbm>> -> memref<16x64xi32, #tpu.memory_space<hbm>>
      %dma_wait3A_393 = arith.constant 0 : i32
      %dma_wait3A_394 = tpu.memref_slice %arg3[%mul3A_15, %dma_wait3A_393] : memref<512x64xi32, #tpu.memory_space<hbm>> -> memref<16x64xi32, #tpu.memory_space<hbm>>
      tpu.wait_dma2 semaphore(%run_scoped3A : memref<!tpu.dma_semaphore, #tpu.memory_space<semaphore_mem>>) src(%dma_wait3A_394 : memref<16x64xi32, #tpu.memory_space<hbm>>) dst(%arg5 : memref<16x64xi32, #tpu.memory_space<vmem>>)
      tpu.yield
    }) : () -> ()
    %add3A_16 = arith.constant 128 : i32
    %add3A_17 = arith.addi %mul3A_2, %add3A_16 : i32
    %dma_start3A_18 = arith.constant 0 : i32
    %dma_start3A_19 = tpu.memref_slice %arg2[%add3A_17, %dma_start3A_18] : memref<32768x512xf32, #tpu.memory_space<hbm>> -> memref<64x512xf32, #tpu.memory_space<hbm>>
    %dma_start3A_20 = arith.constant 0 : i32
    %dma_start3A_21 = tpu.memref_slice %arg2[%add3A_17, %dma_start3A_20] : memref<32768x512xf32, #tpu.memory_space<hbm>> -> memref<64x512xf32, #tpu.memory_space<hbm>>
    tpu.enqueue_dma source(%dma_start3A_21 : memref<64x512xf32, #tpu.memory_space<hbm>>) target(%arg8 : memref<64x512xf32, #tpu.memory_space<vmem>>) target_semaphore(%arg11 : memref<!tpu.dma_semaphore, #tpu.memory_space<semaphore_mem>>)
    %dma_wait3A = arith.constant 0 : i32
    %dma_wait3A_22 = tpu.memref_slice %arg2[%add3A_4, %dma_wait3A] : memref<32768x512xf32, #tpu.memory_space<hbm>> -> memref<64x512xf32, #tpu.memory_space<hbm>>
    %dma_wait3A_23 = arith.constant 0 : i32
    %dma_wait3A_24 = tpu.memref_slice %arg2[%add3A_4, %dma_wait3A_23] : memref<32768x512xf32, #tpu.memory_space<hbm>> -> memref<64x512xf32, #tpu.memory_space<hbm>>
    tpu.wait_dma2 semaphore(%arg9 : memref<!tpu.dma_semaphore, #tpu.memory_space<semaphore_mem>>) src(%dma_wait3A_24 : memref<64x512xf32, #tpu.memory_space<hbm>>) dst(%arg6 : memref<64x512xf32, #tpu.memory_space<vmem>>)
    %dma_start3A_25 = arith.constant 0 : i32
    %dma_start3A_26 = arith.constant 0 : i32
    %dma_start3A_27 = tpu.memref_slice %arg5[%dma_start3A_25, %dma_start3A_26] : memref<16x64xi32, #tpu.memory_space<vmem>> -> memref<1x64xi32, #tpu.memory_space<vmem>>
    %dma_start3A_28 = tpu.memref_squeeze %dma_start3A_27 : memref<1x64xi32, #tpu.memory_space<vmem>> -> memref<64xi32, #tpu.memory_space<vmem>>
    %dma_start3A_29 = arith.constant 0 : i32
    %dma_start3A_30 = arith.constant 0 : i32
    %dma_start3A_31 = tpu.memref_slice %arg4[%dma_start3A_29, %dma_start3A_30] : memref<32768x512xf32, #tpu.memory_space<hbm>> -> memref<32768x512xf32, #tpu.memory_space<hbm>>
    tpu.enqueue_indirect_dma source(%arg6 : memref<64x512xf32, #tpu.memory_space<vmem>>) target(%dma_start3A_31 : memref<32768x512xf32, #tpu.memory_space<hbm>>) offsets(%dma_start3A_28 : memref<64xi32, #tpu.memory_space<vmem>>) semaphore(%arg12 : memref<!tpu.dma_semaphore, #tpu.memory_space<semaphore_mem>>)
    %dma_wait3A_32 = arith.constant 0 : i32
    %dma_wait3A_33 = arith.constant 0 : i32
    %dma_wait3A_34 = tpu.memref_slice %arg5[%dma_wait3A_32, %dma_wait3A_33] : memref<16x64xi32, #tpu.memory_space<vmem>> -> memref<1x64xi32, #tpu.memory_space<vmem>>
    %dma_wait3A_35 = tpu.memref_squeeze %dma_wait3A_34 : memref<1x64xi32, #tpu.memory_space<vmem>> -> memref<64xi32, #tpu.memory_space<vmem>>
    %dma_wait3A_36 = arith.constant 0 : i32
    %dma_wait3A_37 = arith.constant 0 : i32
    %dma_wait3A_38 = tpu.memref_slice %arg4[%dma_wait3A_36, %dma_wait3A_37] : memref<32768x512xf32, #tpu.memory_space<hbm>> -> memref<32768x512xf32, #tpu.memory_space<hbm>>
    tpu.wait_indirect_dma semaphore(%arg12 : memref<!tpu.dma_semaphore, #tpu.memory_space<semaphore_mem>>) src(%arg6 : memref<64x512xf32, #tpu.memory_space<vmem>>) dst(%dma_wait3A_38 : memref<32768x512xf32, #tpu.memory_space<hbm>>)
    %add3A_39 = arith.constant 192 : i32
    %add3A_40 = arith.addi %mul3A_2, %add3A_39 : i32
    %dma_start3A_41 = arith.constant 0 : i32
    %dma_start3A_42 = tpu.memref_slice %arg2[%add3A_40, %dma_start3A_41] : memref<32768x512xf32, #tpu.memory_space<hbm>> -> memref<64x512xf32, #tpu.memory_space<hbm>>
    %dma_start3A_43 = arith.constant 0 : i32
    %dma_start3A_44 = tpu.memref_slice %arg2[%add3A_40, %dma_start3A_43] : memref<32768x512xf32, #tpu.memory_space<hbm>> -> memref<64x512xf32, #tpu.memory_space<hbm>>
    tpu.enqueue_dma source(%dma_start3A_44 : memref<64x512xf32, #tpu.memory_space<hbm>>) target(%arg6 : memref<64x512xf32, #tpu.memory_space<vmem>>) target_semaphore(%arg9 : memref<!tpu.dma_semaphore, #tpu.memory_space<semaphore_mem>>)
    %dma_wait3A_45 = arith.constant 0 : i32
    %dma_wait3A_46 = tpu.memref_slice %arg2[%add3A_9, %dma_wait3A_45] : memref<32768x512xf32, #tpu.memory_space<hbm>> -> memref<64x512xf32, #tpu.memory_space<hbm>>
    %dma_wait3A_47 = arith.constant 0 : i32
    %dma_wait3A_48 = tpu.memref_slice %arg2[%add3A_9, %dma_wait3A_47] : memref<32768x512xf32, #tpu.memory_space<hbm>> -> memref<64x512xf32, #tpu.memory_space<hbm>>
    tpu.wait_dma2 semaphore(%arg10 : memref<!tpu.dma_semaphore, #tpu.memory_space<semaphore_mem>>) src(%dma_wait3A_48 : memref<64x512xf32, #tpu.memory_space<hbm>>) dst(%arg7 : memref<64x512xf32, #tpu.memory_space<vmem>>)
    %dma_start3A_49 = arith.constant 1 : i32
    %dma_start3A_50 = arith.constant 0 : i32
    %dma_start3A_51 = tpu.memref_slice %arg5[%dma_start3A_49, %dma_start3A_50] : memref<16x64xi32, #tpu.memory_space<vmem>> -> memref<1x64xi32, #tpu.memory_space<vmem>>
    %dma_start3A_52 = tpu.memref_squeeze %dma_start3A_51 : memref<1x64xi32, #tpu.memory_space<vmem>> -> memref<64xi32, #tpu.memory_space<vmem>>
    %dma_start3A_53 = arith.constant 0 : i32
    %dma_start3A_54 = arith.constant 0 : i32
    %dma_start3A_55 = tpu.memref_slice %arg4[%dma_start3A_53, %dma_start3A_54] : memref<32768x512xf32, #tpu.memory_space<hbm>> -> memref<32768x512xf32, #tpu.memory_space<hbm>>
    tpu.enqueue_indirect_dma source(%arg7 : memref<64x512xf32, #tpu.memory_space<vmem>>) target(%dma_start3A_55 : memref<32768x512xf32, #tpu.memory_space<hbm>>) offsets(%dma_start3A_52 : memref<64xi32, #tpu.memory_space<vmem>>) semaphore(%arg13 : memref<!tpu.dma_semaphore, #tpu.memory_space<semaphore_mem>>)
    %dma_wait3A_56 = arith.constant 1 : i32
    %dma_wait3A_57 = arith.constant 0 : i32
    %dma_wait3A_58 = tpu.memref_slice %arg5[%dma_wait3A_56, %dma_wait3A_57] : memref<16x64xi32, #tpu.memory_space<vmem>> -> memref<1x64xi32, #tpu.memory_space<vmem>>
    %dma_wait3A_59 = tpu.memref_squeeze %dma_wait3A_58 : memref<1x64xi32, #tpu.memory_space<vmem>> -> memref<64xi32, #tpu.memory_space<vmem>>
    %dma_wait3A_60 = arith.constant 0 : i32
    %dma_wait3A_61 = arith.constant 0 : i32
    %dma_wait3A_62 = tpu.memref_slice %arg4[%dma_wait3A_60, %dma_wait3A_61] : memref<32768x512xf32, #tpu.memory_space<hbm>> -> memref<32768x512xf32, #tpu.memory_space<hbm>>
    tpu.wait_indirect_dma semaphore(%arg13 : memref<!tpu.dma_semaphore, #tpu.memory_space<semaphore_mem>>) src(%arg7 : memref<64x512xf32, #tpu.memory_space<vmem>>) dst(%dma_wait3A_62 : memref<32768x512xf32, #tpu.memory_space<hbm>>)
    %add3A_63 = arith.constant 256 : i32
    %add3A_64 = arith.addi %mul3A_2, %add3A_63 : i32
    %dma_start3A_65 = arith.constant 0 : i32
    %dma_start3A_66 = tpu.memref_slice %arg2[%add3A_64, %dma_start3A_65] : memref<32768x512xf32, #tpu.memory_space<hbm>> -> memref<64x512xf32, #tpu.memory_space<hbm>>
    %dma_start3A_67 = arith.constant 0 : i32
    %dma_start3A_68 = tpu.memref_slice %arg2[%add3A_64, %dma_start3A_67] : memref<32768x512xf32, #tpu.memory_space<hbm>> -> memref<64x512xf32, #tpu.memory_space<hbm>>
    tpu.enqueue_dma source(%dma_start3A_68 : memref<64x512xf32, #tpu.memory_space<hbm>>) target(%arg7 : memref<64x512xf32, #tpu.memory_space<vmem>>) target_semaphore(%arg10 : memref<!tpu.dma_semaphore, #tpu.memory_space<semaphore_mem>>)
    %dma_wait3A_69 = arith.constant 0 : i32
    %dma_wait3A_70 = tpu.memref_slice %arg2[%add3A_17, %dma_wait3A_69] : memref<32768x512xf32, #tpu.memory_space<hbm>> -> memref<64x512xf32, #tpu.memory_space<hbm>>
    %dma_wait3A_71 = arith.constant 0 : i32
    %dma_wait3A_72 = tpu.memref_slice %arg2[%add3A_17, %dma_wait3A_71] : memref<32768x512xf32, #tpu.memory_space<hbm>> -> memref<64x512xf32, #tpu.memory_space<hbm>>
    tpu.wait_dma2 semaphore(%arg11 : memref<!tpu.dma_semaphore, #tpu.memory_space<semaphore_mem>>) src(%dma_wait3A_72 : memref<64x512xf32, #tpu.memory_space<hbm>>) dst(%arg8 : memref<64x512xf32, #tpu.memory_space<vmem>>)
    %dma_start3A_73 = arith.constant 2 : i32
    %dma_start3A_74 = arith.constant 0 : i32
    %dma_start3A_75 = tpu.memref_slice %arg5[%dma_start3A_73, %dma_start3A_74] : memref<16x64xi32, #tpu.memory_space<vmem>> -> memref<1x64xi32, #tpu.memory_space<vmem>>
    %dma_start3A_76 = tpu.memref_squeeze %dma_start3A_75 : memref<1x64xi32, #tpu.memory_space<vmem>> -> memref<64xi32, #tpu.memory_space<vmem>>
    %dma_start3A_77 = arith.constant 0 : i32
    %dma_start3A_78 = arith.constant 0 : i32
    %dma_start3A_79 = tpu.memref_slice %arg4[%dma_start3A_77, %dma_start3A_78] : memref<32768x512xf32, #tpu.memory_space<hbm>> -> memref<32768x512xf32, #tpu.memory_space<hbm>>
    tpu.enqueue_indirect_dma source(%arg8 : memref<64x512xf32, #tpu.memory_space<vmem>>) target(%dma_start3A_79 : memref<32768x512xf32, #tpu.memory_space<hbm>>) offsets(%dma_start3A_76 : memref<64xi32, #tpu.memory_space<vmem>>) semaphore(%arg14 : memref<!tpu.dma_semaphore, #tpu.memory_space<semaphore_mem>>)
    %dma_wait3A_80 = arith.constant 2 : i32
    %dma_wait3A_81 = arith.constant 0 : i32
    %dma_wait3A_82 = tpu.memref_slice %arg5[%dma_wait3A_80, %dma_wait3A_81] : memref<16x64xi32, #tpu.memory_space<vmem>> -> memref<1x64xi32, #tpu.memory_space<vmem>>
    %dma_wait3A_83 = tpu.memref_squeeze %dma_wait3A_82 : memref<1x64xi32, #tpu.memory_space<vmem>> -> memref<64xi32, #tpu.memory_space<vmem>>
    %dma_wait3A_84 = arith.constant 0 : i32
    %dma_wait3A_85 = arith.constant 0 : i32
    %dma_wait3A_86 = tpu.memref_slice %arg4[%dma_wait3A_84, %dma_wait3A_85] : memref<32768x512xf32, #tpu.memory_space<hbm>> -> memref<32768x512xf32, #tpu.memory_space<hbm>>
    tpu.wait_indirect_dma semaphore(%arg14 : memref<!tpu.dma_semaphore, #tpu.memory_space<semaphore_mem>>) src(%arg8 : memref<64x512xf32, #tpu.memory_space<vmem>>) dst(%dma_wait3A_86 : memref<32768x512xf32, #tpu.memory_space<hbm>>)
    %add3A_87 = arith.constant 320 : i32
    %add3A_88 = arith.addi %mul3A_2, %add3A_87 : i32
    %dma_start3A_89 = arith.constant 0 : i32
    %dma_start3A_90 = tpu.memref_slice %arg2[%add3A_88, %dma_start3A_89] : memref<32768x512xf32, #tpu.memory_space<hbm>> -> memref<64x512xf32, #tpu.memory_space<hbm>>
    %dma_start3A_91 = arith.constant 0 : i32
    %dma_start3A_92 = tpu.memref_slice %arg2[%add3A_88, %dma_start3A_91] : memref<32768x512xf32, #tpu.memory_space<hbm>> -> memref<64x512xf32, #tpu.memory_space<hbm>>
    tpu.enqueue_dma source(%dma_start3A_92 : memref<64x512xf32, #tpu.memory_space<hbm>>) target(%arg8 : memref<64x512xf32, #tpu.memory_space<vmem>>) target_semaphore(%arg11 : memref<!tpu.dma_semaphore, #tpu.memory_space<semaphore_mem>>)
    %dma_wait3A_93 = arith.constant 0 : i32
    %dma_wait3A_94 = tpu.memref_slice %arg2[%add3A_40, %dma_wait3A_93] : memref<32768x512xf32, #tpu.memory_space<hbm>> -> memref<64x512xf32, #tpu.memory_space<hbm>>
    %dma_wait3A_95 = arith.constant 0 : i32
    %dma_wait3A_96 = tpu.memref_slice %arg2[%add3A_40, %dma_wait3A_95] : memref<32768x512xf32, #tpu.memory_space<hbm>> -> memref<64x512xf32, #tpu.memory_space<hbm>>
    tpu.wait_dma2 semaphore(%arg9 : memref<!tpu.dma_semaphore, #tpu.memory_space<semaphore_mem>>) src(%dma_wait3A_96 : memref<64x512xf32, #tpu.memory_space<hbm>>) dst(%arg6 : memref<64x512xf32, #tpu.memory_space<vmem>>)
    %dma_start3A_97 = arith.constant 3 : i32
    %dma_start3A_98 = arith.constant 0 : i32
    %dma_start3A_99 = tpu.memref_slice %arg5[%dma_start3A_97, %dma_start3A_98] : memref<16x64xi32, #tpu.memory_space<vmem>> -> memref<1x64xi32, #tpu.memory_space<vmem>>
    %dma_start3A_100 = tpu.memref_squeeze %dma_start3A_99 : memref<1x64xi32, #tpu.memory_space<vmem>> -> memref<64xi32, #tpu.memory_space<vmem>>
    %dma_start3A_101 = arith.constant 0 : i32
    %dma_start3A_102 = arith.constant 0 : i32
    %dma_start3A_103 = tpu.memref_slice %arg4[%dma_start3A_101, %dma_start3A_102] : memref<32768x512xf32, #tpu.memory_space<hbm>> -> memref<32768x512xf32, #tpu.memory_space<hbm>>
    tpu.enqueue_indirect_dma source(%arg6 : memref<64x512xf32, #tpu.memory_space<vmem>>) target(%dma_start3A_103 : memref<32768x512xf32, #tpu.memory_space<hbm>>) offsets(%dma_start3A_100 : memref<64xi32, #tpu.memory_space<vmem>>) semaphore(%arg12 : memref<!tpu.dma_semaphore, #tpu.memory_space<semaphore_mem>>)
    %dma_wait3A_104 = arith.constant 3 : i32
    %dma_wait3A_105 = arith.constant 0 : i32
    %dma_wait3A_106 = tpu.memref_slice %arg5[%dma_wait3A_104, %dma_wait3A_105] : memref<16x64xi32, #tpu.memory_space<vmem>> -> memref<1x64xi32, #tpu.memory_space<vmem>>
    %dma_wait3A_107 = tpu.memref_squeeze %dma_wait3A_106 : memref<1x64xi32, #tpu.memory_space<vmem>> -> memref<64xi32, #tpu.memory_space<vmem>>
    %dma_wait3A_108 = arith.constant 0 : i32
    %dma_wait3A_109 = arith.constant 0 : i32
    %dma_wait3A_110 = tpu.memref_slice %arg4[%dma_wait3A_108, %dma_wait3A_109] : memref<32768x512xf32, #tpu.memory_space<hbm>> -> memref<32768x512xf32, #tpu.memory_space<hbm>>
    tpu.wait_indirect_dma semaphore(%arg12 : memref<!tpu.dma_semaphore, #tpu.memory_space<semaphore_mem>>) src(%arg6 : memref<64x512xf32, #tpu.memory_space<vmem>>) dst(%dma_wait3A_110 : memref<32768x512xf32, #tpu.memory_space<hbm>>)
    %add3A_111 = arith.constant 384 : i32
    %add3A_112 = arith.addi %mul3A_2, %add3A_111 : i32
    %dma_start3A_113 = arith.constant 0 : i32
    %dma_start3A_114 = tpu.memref_slice %arg2[%add3A_112, %dma_start3A_113] : memref<32768x512xf32, #tpu.memory_space<hbm>> -> memref<64x512xf32, #tpu.memory_space<hbm>>
    %dma_start3A_115 = arith.constant 0 : i32
    %dma_start3A_116 = tpu.memref_slice %arg2[%add3A_112, %dma_start3A_115] : memref<32768x512xf32, #tpu.memory_space<hbm>> -> memref<64x512xf32, #tpu.memory_space<hbm>>
    tpu.enqueue_dma source(%dma_start3A_116 : memref<64x512xf32, #tpu.memory_space<hbm>>) target(%arg6 : memref<64x512xf32, #tpu.memory_space<vmem>>) target_semaphore(%arg9 : memref<!tpu.dma_semaphore, #tpu.memory_space<semaphore_mem>>)
    %dma_wait3A_117 = arith.constant 0 : i32
    %dma_wait3A_118 = tpu.memref_slice %arg2[%add3A_64, %dma_wait3A_117] : memref<32768x512xf32, #tpu.memory_space<hbm>> -> memref<64x512xf32, #tpu.memory_space<hbm>>
    %dma_wait3A_119 = arith.constant 0 : i32
    %dma_wait3A_120 = tpu.memref_slice %arg2[%add3A_64, %dma_wait3A_119] : memref<32768x512xf32, #tpu.memory_space<hbm>> -> memref<64x512xf32, #tpu.memory_space<hbm>>
    tpu.wait_dma2 semaphore(%arg10 : memref<!tpu.dma_semaphore, #tpu.memory_space<semaphore_mem>>) src(%dma_wait3A_120 : memref<64x512xf32, #tpu.memory_space<hbm>>) dst(%arg7 : memref<64x512xf32, #tpu.memory_space<vmem>>)
    %dma_start3A_121 = arith.constant 4 : i32
    %dma_start3A_122 = arith.constant 0 : i32
    %dma_start3A_123 = tpu.memref_slice %arg5[%dma_start3A_121, %dma_start3A_122] : memref<16x64xi32, #tpu.memory_space<vmem>> -> memref<1x64xi32, #tpu.memory_space<vmem>>
    %dma_start3A_124 = tpu.memref_squeeze %dma_start3A_123 : memref<1x64xi32, #tpu.memory_space<vmem>> -> memref<64xi32, #tpu.memory_space<vmem>>
    %dma_start3A_125 = arith.constant 0 : i32
    %dma_start3A_126 = arith.constant 0 : i32
    %dma_start3A_127 = tpu.memref_slice %arg4[%dma_start3A_125, %dma_start3A_126] : memref<32768x512xf32, #tpu.memory_space<hbm>> -> memref<32768x512xf32, #tpu.memory_space<hbm>>
    tpu.enqueue_indirect_dma source(%arg7 : memref<64x512xf32, #tpu.memory_space<vmem>>) target(%dma_start3A_127 : memref<32768x512xf32, #tpu.memory_space<hbm>>) offsets(%dma_start3A_124 : memref<64xi32, #tpu.memory_space<vmem>>) semaphore(%arg13 : memref<!tpu.dma_semaphore, #tpu.memory_space<semaphore_mem>>)
    %dma_wait3A_128 = arith.constant 4 : i32
    %dma_wait3A_129 = arith.constant 0 : i32
    %dma_wait3A_130 = tpu.memref_slice %arg5[%dma_wait3A_128, %dma_wait3A_129] : memref<16x64xi32, #tpu.memory_space<vmem>> -> memref<1x64xi32, #tpu.memory_space<vmem>>
    %dma_wait3A_131 = tpu.memref_squeeze %dma_wait3A_130 : memref<1x64xi32, #tpu.memory_space<vmem>> -> memref<64xi32, #tpu.memory_space<vmem>>
    %dma_wait3A_132 = arith.constant 0 : i32
    %dma_wait3A_133 = arith.constant 0 : i32
    %dma_wait3A_134 = tpu.memref_slice %arg4[%dma_wait3A_132, %dma_wait3A_133] : memref<32768x512xf32, #tpu.memory_space<hbm>> -> memref<32768x512xf32, #tpu.memory_space<hbm>>
    tpu.wait_indirect_dma semaphore(%arg13 : memref<!tpu.dma_semaphore, #tpu.memory_space<semaphore_mem>>) src(%arg7 : memref<64x512xf32, #tpu.memory_space<vmem>>) dst(%dma_wait3A_134 : memref<32768x512xf32, #tpu.memory_space<hbm>>)
    %add3A_135 = arith.constant 448 : i32
    %add3A_136 = arith.addi %mul3A_2, %add3A_135 : i32
    %dma_start3A_137 = arith.constant 0 : i32
    %dma_start3A_138 = tpu.memref_slice %arg2[%add3A_136, %dma_start3A_137] : memref<32768x512xf32, #tpu.memory_space<hbm>> -> memref<64x512xf32, #tpu.memory_space<hbm>>
    %dma_start3A_139 = arith.constant 0 : i32
    %dma_start3A_140 = tpu.memref_slice %arg2[%add3A_136, %dma_start3A_139] : memref<32768x512xf32, #tpu.memory_space<hbm>> -> memref<64x512xf32, #tpu.memory_space<hbm>>
    tpu.enqueue_dma source(%dma_start3A_140 : memref<64x512xf32, #tpu.memory_space<hbm>>) target(%arg7 : memref<64x512xf32, #tpu.memory_space<vmem>>) target_semaphore(%arg10 : memref<!tpu.dma_semaphore, #tpu.memory_space<semaphore_mem>>)
    %dma_wait3A_141 = arith.constant 0 : i32
    %dma_wait3A_142 = tpu.memref_slice %arg2[%add3A_88, %dma_wait3A_141] : memref<32768x512xf32, #tpu.memory_space<hbm>> -> memref<64x512xf32, #tpu.memory_space<hbm>>
    %dma_wait3A_143 = arith.constant 0 : i32
    %dma_wait3A_144 = tpu.memref_slice %arg2[%add3A_88, %dma_wait3A_143] : memref<32768x512xf32, #tpu.memory_space<hbm>> -> memref<64x512xf32, #tpu.memory_space<hbm>>
    tpu.wait_dma2 semaphore(%arg11 : memref<!tpu.dma_semaphore, #tpu.memory_space<semaphore_mem>>) src(%dma_wait3A_144 : memref<64x512xf32, #tpu.memory_space<hbm>>) dst(%arg8 : memref<64x512xf32, #tpu.memory_space<vmem>>)
    %dma_start3A_145 = arith.constant 5 : i32
    %dma_start3A_146 = arith.constant 0 : i32
    %dma_start3A_147 = tpu.memref_slice %arg5[%dma_start3A_145, %dma_start3A_146] : memref<16x64xi32, #tpu.memory_space<vmem>> -> memref<1x64xi32, #tpu.memory_space<vmem>>
    %dma_start3A_148 = tpu.memref_squeeze %dma_start3A_147 : memref<1x64xi32, #tpu.memory_space<vmem>> -> memref<64xi32, #tpu.memory_space<vmem>>
    %dma_start3A_149 = arith.constant 0 : i32
    %dma_start3A_150 = arith.constant 0 : i32
    %dma_start3A_151 = tpu.memref_slice %arg4[%dma_start3A_149, %dma_start3A_150] : memref<32768x512xf32, #tpu.memory_space<hbm>> -> memref<32768x512xf32, #tpu.memory_space<hbm>>
    tpu.enqueue_indirect_dma source(%arg8 : memref<64x512xf32, #tpu.memory_space<vmem>>) target(%dma_start3A_151 : memref<32768x512xf32, #tpu.memory_space<hbm>>) offsets(%dma_start3A_148 : memref<64xi32, #tpu.memory_space<vmem>>) semaphore(%arg14 : memref<!tpu.dma_semaphore, #tpu.memory_space<semaphore_mem>>)
    %dma_wait3A_152 = arith.constant 5 : i32
    %dma_wait3A_153 = arith.constant 0 : i32
    %dma_wait3A_154 = tpu.memref_slice %arg5[%dma_wait3A_152, %dma_wait3A_153] : memref<16x64xi32, #tpu.memory_space<vmem>> -> memref<1x64xi32, #tpu.memory_space<vmem>>
    %dma_wait3A_155 = tpu.memref_squeeze %dma_wait3A_154 : memref<1x64xi32, #tpu.memory_space<vmem>> -> memref<64xi32, #tpu.memory_space<vmem>>
    %dma_wait3A_156 = arith.constant 0 : i32
    %dma_wait3A_157 = arith.constant 0 : i32
    %dma_wait3A_158 = tpu.memref_slice %arg4[%dma_wait3A_156, %dma_wait3A_157] : memref<32768x512xf32, #tpu.memory_space<hbm>> -> memref<32768x512xf32, #tpu.memory_space<hbm>>
    tpu.wait_indirect_dma semaphore(%arg14 : memref<!tpu.dma_semaphore, #tpu.memory_space<semaphore_mem>>) src(%arg8 : memref<64x512xf32, #tpu.memory_space<vmem>>) dst(%dma_wait3A_158 : memref<32768x512xf32, #tpu.memory_space<hbm>>)
    %add3A_159 = arith.constant 512 : i32
    %add3A_160 = arith.addi %mul3A_2, %add3A_159 : i32
    %dma_start3A_161 = arith.constant 0 : i32
    %dma_start3A_162 = tpu.memref_slice %arg2[%add3A_160, %dma_start3A_161] : memref<32768x512xf32, #tpu.memory_space<hbm>> -> memref<64x512xf32, #tpu.memory_space<hbm>>
    %dma_start3A_163 = arith.constant 0 : i32
    %dma_start3A_164 = tpu.memref_slice %arg2[%add3A_160, %dma_start3A_163] : memref<32768x512xf32, #tpu.memory_space<hbm>> -> memref<64x512xf32, #tpu.memory_space<hbm>>
    tpu.enqueue_dma source(%dma_start3A_164 : memref<64x512xf32, #tpu.memory_space<hbm>>) target(%arg8 : memref<64x512xf32, #tpu.memory_space<vmem>>) target_semaphore(%arg11 : memref<!tpu.dma_semaphore, #tpu.memory_space<semaphore_mem>>)
    %dma_wait3A_165 = arith.constant 0 : i32
    %dma_wait3A_166 = tpu.memref_slice %arg2[%add3A_112, %dma_wait3A_165] : memref<32768x512xf32, #tpu.memory_space<hbm>> -> memref<64x512xf32, #tpu.memory_space<hbm>>
    %dma_wait3A_167 = arith.constant 0 : i32
    %dma_wait3A_168 = tpu.memref_slice %arg2[%add3A_112, %dma_wait3A_167] : memref<32768x512xf32, #tpu.memory_space<hbm>> -> memref<64x512xf32, #tpu.memory_space<hbm>>
    tpu.wait_dma2 semaphore(%arg9 : memref<!tpu.dma_semaphore, #tpu.memory_space<semaphore_mem>>) src(%dma_wait3A_168 : memref<64x512xf32, #tpu.memory_space<hbm>>) dst(%arg6 : memref<64x512xf32, #tpu.memory_space<vmem>>)
    %dma_start3A_169 = arith.constant 6 : i32
    %dma_start3A_170 = arith.constant 0 : i32
    %dma_start3A_171 = tpu.memref_slice %arg5[%dma_start3A_169, %dma_start3A_170] : memref<16x64xi32, #tpu.memory_space<vmem>> -> memref<1x64xi32, #tpu.memory_space<vmem>>
    %dma_start3A_172 = tpu.memref_squeeze %dma_start3A_171 : memref<1x64xi32, #tpu.memory_space<vmem>> -> memref<64xi32, #tpu.memory_space<vmem>>
    %dma_start3A_173 = arith.constant 0 : i32
    %dma_start3A_174 = arith.constant 0 : i32
    %dma_start3A_175 = tpu.memref_slice %arg4[%dma_start3A_173, %dma_start3A_174] : memref<32768x512xf32, #tpu.memory_space<hbm>> -> memref<32768x512xf32, #tpu.memory_space<hbm>>
    tpu.enqueue_indirect_dma source(%arg6 : memref<64x512xf32, #tpu.memory_space<vmem>>) target(%dma_start3A_175 : memref<32768x512xf32, #tpu.memory_space<hbm>>) offsets(%dma_start3A_172 : memref<64xi32, #tpu.memory_space<vmem>>) semaphore(%arg12 : memref<!tpu.dma_semaphore, #tpu.memory_space<semaphore_mem>>)
    %dma_wait3A_176 = arith.constant 6 : i32
    %dma_wait3A_177 = arith.constant 0 : i32
    %dma_wait3A_178 = tpu.memref_slice %arg5[%dma_wait3A_176, %dma_wait3A_177] : memref<16x64xi32, #tpu.memory_space<vmem>> -> memref<1x64xi32, #tpu.memory_space<vmem>>
    %dma_wait3A_179 = tpu.memref_squeeze %dma_wait3A_178 : memref<1x64xi32, #tpu.memory_space<vmem>> -> memref<64xi32, #tpu.memory_space<vmem>>
    %dma_wait3A_180 = arith.constant 0 : i32
    %dma_wait3A_181 = arith.constant 0 : i32
    %dma_wait3A_182 = tpu.memref_slice %arg4[%dma_wait3A_180, %dma_wait3A_181] : memref<32768x512xf32, #tpu.memory_space<hbm>> -> memref<32768x512xf32, #tpu.memory_space<hbm>>
    tpu.wait_indirect_dma semaphore(%arg12 : memref<!tpu.dma_semaphore, #tpu.memory_space<semaphore_mem>>) src(%arg6 : memref<64x512xf32, #tpu.memory_space<vmem>>) dst(%dma_wait3A_182 : memref<32768x512xf32, #tpu.memory_space<hbm>>)
    %add3A_183 = arith.constant 576 : i32
    %add3A_184 = arith.addi %mul3A_2, %add3A_183 : i32
    %dma_start3A_185 = arith.constant 0 : i32
    %dma_start3A_186 = tpu.memref_slice %arg2[%add3A_184, %dma_start3A_185] : memref<32768x512xf32, #tpu.memory_space<hbm>> -> memref<64x512xf32, #tpu.memory_space<hbm>>
    %dma_start3A_187 = arith.constant 0 : i32
    %dma_start3A_188 = tpu.memref_slice %arg2[%add3A_184, %dma_start3A_187] : memref<32768x512xf32, #tpu.memory_space<hbm>> -> memref<64x512xf32, #tpu.memory_space<hbm>>
    tpu.enqueue_dma source(%dma_start3A_188 : memref<64x512xf32, #tpu.memory_space<hbm>>) target(%arg6 : memref<64x512xf32, #tpu.memory_space<vmem>>) target_semaphore(%arg9 : memref<!tpu.dma_semaphore, #tpu.memory_space<semaphore_mem>>)
    %dma_wait3A_189 = arith.constant 0 : i32
    %dma_wait3A_190 = tpu.memref_slice %arg2[%add3A_136, %dma_wait3A_189] : memref<32768x512xf32, #tpu.memory_space<hbm>> -> memref<64x512xf32, #tpu.memory_space<hbm>>
    %dma_wait3A_191 = arith.constant 0 : i32
    %dma_wait3A_192 = tpu.memref_slice %arg2[%add3A_136, %dma_wait3A_191] : memref<32768x512xf32, #tpu.memory_space<hbm>> -> memref<64x512xf32, #tpu.memory_space<hbm>>
    tpu.wait_dma2 semaphore(%arg10 : memref<!tpu.dma_semaphore, #tpu.memory_space<semaphore_mem>>) src(%dma_wait3A_192 : memref<64x512xf32, #tpu.memory_space<hbm>>) dst(%arg7 : memref<64x512xf32, #tpu.memory_space<vmem>>)
    %dma_start3A_193 = arith.constant 7 : i32
    %dma_start3A_194 = arith.constant 0 : i32
    %dma_start3A_195 = tpu.memref_slice %arg5[%dma_start3A_193, %dma_start3A_194] : memref<16x64xi32, #tpu.memory_space<vmem>> -> memref<1x64xi32, #tpu.memory_space<vmem>>
    %dma_start3A_196 = tpu.memref_squeeze %dma_start3A_195 : memref<1x64xi32, #tpu.memory_space<vmem>> -> memref<64xi32, #tpu.memory_space<vmem>>
    %dma_start3A_197 = arith.constant 0 : i32
    %dma_start3A_198 = arith.constant 0 : i32
    %dma_start3A_199 = tpu.memref_slice %arg4[%dma_start3A_197, %dma_start3A_198] : memref<32768x512xf32, #tpu.memory_space<hbm>> -> memref<32768x512xf32, #tpu.memory_space<hbm>>
    tpu.enqueue_indirect_dma source(%arg7 : memref<64x512xf32, #tpu.memory_space<vmem>>) target(%dma_start3A_199 : memref<32768x512xf32, #tpu.memory_space<hbm>>) offsets(%dma_start3A_196 : memref<64xi32, #tpu.memory_space<vmem>>) semaphore(%arg13 : memref<!tpu.dma_semaphore, #tpu.memory_space<semaphore_mem>>)
    %dma_wait3A_200 = arith.constant 7 : i32
    %dma_wait3A_201 = arith.constant 0 : i32
    %dma_wait3A_202 = tpu.memref_slice %arg5[%dma_wait3A_200, %dma_wait3A_201] : memref<16x64xi32, #tpu.memory_space<vmem>> -> memref<1x64xi32, #tpu.memory_space<vmem>>
    %dma_wait3A_203 = tpu.memref_squeeze %dma_wait3A_202 : memref<1x64xi32, #tpu.memory_space<vmem>> -> memref<64xi32, #tpu.memory_space<vmem>>
    %dma_wait3A_204 = arith.constant 0 : i32
    %dma_wait3A_205 = arith.constant 0 : i32
    %dma_wait3A_206 = tpu.memref_slice %arg4[%dma_wait3A_204, %dma_wait3A_205] : memref<32768x512xf32, #tpu.memory_space<hbm>> -> memref<32768x512xf32, #tpu.memory_space<hbm>>
    tpu.wait_indirect_dma semaphore(%arg13 : memref<!tpu.dma_semaphore, #tpu.memory_space<semaphore_mem>>) src(%arg7 : memref<64x512xf32, #tpu.memory_space<vmem>>) dst(%dma_wait3A_206 : memref<32768x512xf32, #tpu.memory_space<hbm>>)
    %add3A_207 = arith.constant 640 : i32
    %add3A_208 = arith.addi %mul3A_2, %add3A_207 : i32
    %dma_start3A_209 = arith.constant 0 : i32
    %dma_start3A_210 = tpu.memref_slice %arg2[%add3A_208, %dma_start3A_209] : memref<32768x512xf32, #tpu.memory_space<hbm>> -> memref<64x512xf32, #tpu.memory_space<hbm>>
    %dma_start3A_211 = arith.constant 0 : i32
    %dma_start3A_212 = tpu.memref_slice %arg2[%add3A_208, %dma_start3A_211] : memref<32768x512xf32, #tpu.memory_space<hbm>> -> memref<64x512xf32, #tpu.memory_space<hbm>>
    tpu.enqueue_dma source(%dma_start3A_212 : memref<64x512xf32, #tpu.memory_space<hbm>>) target(%arg7 : memref<64x512xf32, #tpu.memory_space<vmem>>) target_semaphore(%arg10 : memref<!tpu.dma_semaphore, #tpu.memory_space<semaphore_mem>>)
    %dma_wait3A_213 = arith.constant 0 : i32
    %dma_wait3A_214 = tpu.memref_slice %arg2[%add3A_160, %dma_wait3A_213] : memref<32768x512xf32, #tpu.memory_space<hbm>> -> memref<64x512xf32, #tpu.memory_space<hbm>>
    %dma_wait3A_215 = arith.constant 0 : i32
    %dma_wait3A_216 = tpu.memref_slice %arg2[%add3A_160, %dma_wait3A_215] : memref<32768x512xf32, #tpu.memory_space<hbm>> -> memref<64x512xf32, #tpu.memory_space<hbm>>
    tpu.wait_dma2 semaphore(%arg11 : memref<!tpu.dma_semaphore, #tpu.memory_space<semaphore_mem>>) src(%dma_wait3A_216 : memref<64x512xf32, #tpu.memory_space<hbm>>) dst(%arg8 : memref<64x512xf32, #tpu.memory_space<vmem>>)
    %dma_start3A_217 = arith.constant 8 : i32
    %dma_start3A_218 = arith.constant 0 : i32
    %dma_start3A_219 = tpu.memref_slice %arg5[%dma_start3A_217, %dma_start3A_218] : memref<16x64xi32, #tpu.memory_space<vmem>> -> memref<1x64xi32, #tpu.memory_space<vmem>>
    %dma_start3A_220 = tpu.memref_squeeze %dma_start3A_219 : memref<1x64xi32, #tpu.memory_space<vmem>> -> memref<64xi32, #tpu.memory_space<vmem>>
    %dma_start3A_221 = arith.constant 0 : i32
    %dma_start3A_222 = arith.constant 0 : i32
    %dma_start3A_223 = tpu.memref_slice %arg4[%dma_start3A_221, %dma_start3A_222] : memref<32768x512xf32, #tpu.memory_space<hbm>> -> memref<32768x512xf32, #tpu.memory_space<hbm>>
    tpu.enqueue_indirect_dma source(%arg8 : memref<64x512xf32, #tpu.memory_space<vmem>>) target(%dma_start3A_223 : memref<32768x512xf32, #tpu.memory_space<hbm>>) offsets(%dma_start3A_220 : memref<64xi32, #tpu.memory_space<vmem>>) semaphore(%arg14 : memref<!tpu.dma_semaphore, #tpu.memory_space<semaphore_mem>>)
    %dma_wait3A_224 = arith.constant 8 : i32
    %dma_wait3A_225 = arith.constant 0 : i32
    %dma_wait3A_226 = tpu.memref_slice %arg5[%dma_wait3A_224, %dma_wait3A_225] : memref<16x64xi32, #tpu.memory_space<vmem>> -> memref<1x64xi32, #tpu.memory_space<vmem>>
    %dma_wait3A_227 = tpu.memref_squeeze %dma_wait3A_226 : memref<1x64xi32, #tpu.memory_space<vmem>> -> memref<64xi32, #tpu.memory_space<vmem>>
    %dma_wait3A_228 = arith.constant 0 : i32
    %dma_wait3A_229 = arith.constant 0 : i32
    %dma_wait3A_230 = tpu.memref_slice %arg4[%dma_wait3A_228, %dma_wait3A_229] : memref<32768x512xf32, #tpu.memory_space<hbm>> -> memref<32768x512xf32, #tpu.memory_space<hbm>>
    tpu.wait_indirect_dma semaphore(%arg14 : memref<!tpu.dma_semaphore, #tpu.memory_space<semaphore_mem>>) src(%arg8 : memref<64x512xf32, #tpu.memory_space<vmem>>) dst(%dma_wait3A_230 : memref<32768x512xf32, #tpu.memory_space<hbm>>)
    %add3A_231 = arith.constant 704 : i32
    %add3A_232 = arith.addi %mul3A_2, %add3A_231 : i32
    %dma_start3A_233 = arith.constant 0 : i32
    %dma_start3A_234 = tpu.memref_slice %arg2[%add3A_232, %dma_start3A_233] : memref<32768x512xf32, #tpu.memory_space<hbm>> -> memref<64x512xf32, #tpu.memory_space<hbm>>
    %dma_start3A_235 = arith.constant 0 : i32
    %dma_start3A_236 = tpu.memref_slice %arg2[%add3A_232, %dma_start3A_235] : memref<32768x512xf32, #tpu.memory_space<hbm>> -> memref<64x512xf32, #tpu.memory_space<hbm>>
    tpu.enqueue_dma source(%dma_start3A_236 : memref<64x512xf32, #tpu.memory_space<hbm>>) target(%arg8 : memref<64x512xf32, #tpu.memory_space<vmem>>) target_semaphore(%arg11 : memref<!tpu.dma_semaphore, #tpu.memory_space<semaphore_mem>>)
    %dma_wait3A_237 = arith.constant 0 : i32
    %dma_wait3A_238 = tpu.memref_slice %arg2[%add3A_184, %dma_wait3A_237] : memref<32768x512xf32, #tpu.memory_space<hbm>> -> memref<64x512xf32, #tpu.memory_space<hbm>>
    %dma_wait3A_239 = arith.constant 0 : i32
    %dma_wait3A_240 = tpu.memref_slice %arg2[%add3A_184, %dma_wait3A_239] : memref<32768x512xf32, #tpu.memory_space<hbm>> -> memref<64x512xf32, #tpu.memory_space<hbm>>
    tpu.wait_dma2 semaphore(%arg9 : memref<!tpu.dma_semaphore, #tpu.memory_space<semaphore_mem>>) src(%dma_wait3A_240 : memref<64x512xf32, #tpu.memory_space<hbm>>) dst(%arg6 : memref<64x512xf32, #tpu.memory_space<vmem>>)
    %dma_start3A_241 = arith.constant 9 : i32
    %dma_start3A_242 = arith.constant 0 : i32
    %dma_start3A_243 = tpu.memref_slice %arg5[%dma_start3A_241, %dma_start3A_242] : memref<16x64xi32, #tpu.memory_space<vmem>> -> memref<1x64xi32, #tpu.memory_space<vmem>>
    %dma_start3A_244 = tpu.memref_squeeze %dma_start3A_243 : memref<1x64xi32, #tpu.memory_space<vmem>> -> memref<64xi32, #tpu.memory_space<vmem>>
    %dma_start3A_245 = arith.constant 0 : i32
    %dma_start3A_246 = arith.constant 0 : i32
    %dma_start3A_247 = tpu.memref_slice %arg4[%dma_start3A_245, %dma_start3A_246] : memref<32768x512xf32, #tpu.memory_space<hbm>> -> memref<32768x512xf32, #tpu.memory_space<hbm>>
    tpu.enqueue_indirect_dma source(%arg6 : memref<64x512xf32, #tpu.memory_space<vmem>>) target(%dma_start3A_247 : memref<32768x512xf32, #tpu.memory_space<hbm>>) offsets(%dma_start3A_244 : memref<64xi32, #tpu.memory_space<vmem>>) semaphore(%arg12 : memref<!tpu.dma_semaphore, #tpu.memory_space<semaphore_mem>>)
    %dma_wait3A_248 = arith.constant 9 : i32
    %dma_wait3A_249 = arith.constant 0 : i32
    %dma_wait3A_250 = tpu.memref_slice %arg5[%dma_wait3A_248, %dma_wait3A_249] : memref<16x64xi32, #tpu.memory_space<vmem>> -> memref<1x64xi32, #tpu.memory_space<vmem>>
    %dma_wait3A_251 = tpu.memref_squeeze %dma_wait3A_250 : memref<1x64xi32, #tpu.memory_space<vmem>> -> memref<64xi32, #tpu.memory_space<vmem>>
    %dma_wait3A_252 = arith.constant 0 : i32
    %dma_wait3A_253 = arith.constant 0 : i32
    %dma_wait3A_254 = tpu.memref_slice %arg4[%dma_wait3A_252, %dma_wait3A_253] : memref<32768x512xf32, #tpu.memory_space<hbm>> -> memref<32768x512xf32, #tpu.memory_space<hbm>>
    tpu.wait_indirect_dma semaphore(%arg12 : memref<!tpu.dma_semaphore, #tpu.memory_space<semaphore_mem>>) src(%arg6 : memref<64x512xf32, #tpu.memory_space<vmem>>) dst(%dma_wait3A_254 : memref<32768x512xf32, #tpu.memory_space<hbm>>)
    %add3A_255 = arith.constant 768 : i32
    %add3A_256 = arith.addi %mul3A_2, %add3A_255 : i32
    %dma_start3A_257 = arith.constant 0 : i32
    %dma_start3A_258 = tpu.memref_slice %arg2[%add3A_256, %dma_start3A_257] : memref<32768x512xf32, #tpu.memory_space<hbm>> -> memref<64x512xf32, #tpu.memory_space<hbm>>
    %dma_start3A_259 = arith.constant 0 : i32
    %dma_start3A_260 = tpu.memref_slice %arg2[%add3A_256, %dma_start3A_259] : memref<32768x512xf32, #tpu.memory_space<hbm>> -> memref<64x512xf32, #tpu.memory_space<hbm>>
    tpu.enqueue_dma source(%dma_start3A_260 : memref<64x512xf32, #tpu.memory_space<hbm>>) target(%arg6 : memref<64x512xf32, #tpu.memory_space<vmem>>) target_semaphore(%arg9 : memref<!tpu.dma_semaphore, #tpu.memory_space<semaphore_mem>>)
    %dma_wait3A_261 = arith.constant 0 : i32
    %dma_wait3A_262 = tpu.memref_slice %arg2[%add3A_208, %dma_wait3A_261] : memref<32768x512xf32, #tpu.memory_space<hbm>> -> memref<64x512xf32, #tpu.memory_space<hbm>>
    %dma_wait3A_263 = arith.constant 0 : i32
    %dma_wait3A_264 = tpu.memref_slice %arg2[%add3A_208, %dma_wait3A_263] : memref<32768x512xf32, #tpu.memory_space<hbm>> -> memref<64x512xf32, #tpu.memory_space<hbm>>
    tpu.wait_dma2 semaphore(%arg10 : memref<!tpu.dma_semaphore, #tpu.memory_space<semaphore_mem>>) src(%dma_wait3A_264 : memref<64x512xf32, #tpu.memory_space<hbm>>) dst(%arg7 : memref<64x512xf32, #tpu.memory_space<vmem>>)
    %dma_start3A_265 = arith.constant 10 : i32
    %dma_start3A_266 = arith.constant 0 : i32
    %dma_start3A_267 = tpu.memref_slice %arg5[%dma_start3A_265, %dma_start3A_266] : memref<16x64xi32, #tpu.memory_space<vmem>> -> memref<1x64xi32, #tpu.memory_space<vmem>>
    %dma_start3A_268 = tpu.memref_squeeze %dma_start3A_267 : memref<1x64xi32, #tpu.memory_space<vmem>> -> memref<64xi32, #tpu.memory_space<vmem>>
    %dma_start3A_269 = arith.constant 0 : i32
    %dma_start3A_270 = arith.constant 0 : i32
    %dma_start3A_271 = tpu.memref_slice %arg4[%dma_start3A_269, %dma_start3A_270] : memref<32768x512xf32, #tpu.memory_space<hbm>> -> memref<32768x512xf32, #tpu.memory_space<hbm>>
    tpu.enqueue_indirect_dma source(%arg7 : memref<64x512xf32, #tpu.memory_space<vmem>>) target(%dma_start3A_271 : memref<32768x512xf32, #tpu.memory_space<hbm>>) offsets(%dma_start3A_268 : memref<64xi32, #tpu.memory_space<vmem>>) semaphore(%arg13 : memref<!tpu.dma_semaphore, #tpu.memory_space<semaphore_mem>>)
    %dma_wait3A_272 = arith.constant 10 : i32
    %dma_wait3A_273 = arith.constant 0 : i32
    %dma_wait3A_274 = tpu.memref_slice %arg5[%dma_wait3A_272, %dma_wait3A_273] : memref<16x64xi32, #tpu.memory_space<vmem>> -> memref<1x64xi32, #tpu.memory_space<vmem>>
    %dma_wait3A_275 = tpu.memref_squeeze %dma_wait3A_274 : memref<1x64xi32, #tpu.memory_space<vmem>> -> memref<64xi32, #tpu.memory_space<vmem>>
    %dma_wait3A_276 = arith.constant 0 : i32
    %dma_wait3A_277 = arith.constant 0 : i32
    %dma_wait3A_278 = tpu.memref_slice %arg4[%dma_wait3A_276, %dma_wait3A_277] : memref<32768x512xf32, #tpu.memory_space<hbm>> -> memref<32768x512xf32, #tpu.memory_space<hbm>>
    tpu.wait_indirect_dma semaphore(%arg13 : memref<!tpu.dma_semaphore, #tpu.memory_space<semaphore_mem>>) src(%arg7 : memref<64x512xf32, #tpu.memory_space<vmem>>) dst(%dma_wait3A_278 : memref<32768x512xf32, #tpu.memory_space<hbm>>)
    %add3A_279 = arith.constant 832 : i32
    %add3A_280 = arith.addi %mul3A_2, %add3A_279 : i32
    %dma_start3A_281 = arith.constant 0 : i32
    %dma_start3A_282 = tpu.memref_slice %arg2[%add3A_280, %dma_start3A_281] : memref<32768x512xf32, #tpu.memory_space<hbm>> -> memref<64x512xf32, #tpu.memory_space<hbm>>
    %dma_start3A_283 = arith.constant 0 : i32
    %dma_start3A_284 = tpu.memref_slice %arg2[%add3A_280, %dma_start3A_283] : memref<32768x512xf32, #tpu.memory_space<hbm>> -> memref<64x512xf32, #tpu.memory_space<hbm>>
    tpu.enqueue_dma source(%dma_start3A_284 : memref<64x512xf32, #tpu.memory_space<hbm>>) target(%arg7 : memref<64x512xf32, #tpu.memory_space<vmem>>) target_semaphore(%arg10 : memref<!tpu.dma_semaphore, #tpu.memory_space<semaphore_mem>>)
    %dma_wait3A_285 = arith.constant 0 : i32
    %dma_wait3A_286 = tpu.memref_slice %arg2[%add3A_232, %dma_wait3A_285] : memref<32768x512xf32, #tpu.memory_space<hbm>> -> memref<64x512xf32, #tpu.memory_space<hbm>>
    %dma_wait3A_287 = arith.constant 0 : i32
    %dma_wait3A_288 = tpu.memref_slice %arg2[%add3A_232, %dma_wait3A_287] : memref<32768x512xf32, #tpu.memory_space<hbm>> -> memref<64x512xf32, #tpu.memory_space<hbm>>
    tpu.wait_dma2 semaphore(%arg11 : memref<!tpu.dma_semaphore, #tpu.memory_space<semaphore_mem>>) src(%dma_wait3A_288 : memref<64x512xf32, #tpu.memory_space<hbm>>) dst(%arg8 : memref<64x512xf32, #tpu.memory_space<vmem>>)
    %dma_start3A_289 = arith.constant 11 : i32
    %dma_start3A_290 = arith.constant 0 : i32
    %dma_start3A_291 = tpu.memref_slice %arg5[%dma_start3A_289, %dma_start3A_290] : memref<16x64xi32, #tpu.memory_space<vmem>> -> memref<1x64xi32, #tpu.memory_space<vmem>>
    %dma_start3A_292 = tpu.memref_squeeze %dma_start3A_291 : memref<1x64xi32, #tpu.memory_space<vmem>> -> memref<64xi32, #tpu.memory_space<vmem>>
    %dma_start3A_293 = arith.constant 0 : i32
    %dma_start3A_294 = arith.constant 0 : i32
    %dma_start3A_295 = tpu.memref_slice %arg4[%dma_start3A_293, %dma_start3A_294] : memref<32768x512xf32, #tpu.memory_space<hbm>> -> memref<32768x512xf32, #tpu.memory_space<hbm>>
    tpu.enqueue_indirect_dma source(%arg8 : memref<64x512xf32, #tpu.memory_space<vmem>>) target(%dma_start3A_295 : memref<32768x512xf32, #tpu.memory_space<hbm>>) offsets(%dma_start3A_292 : memref<64xi32, #tpu.memory_space<vmem>>) semaphore(%arg14 : memref<!tpu.dma_semaphore, #tpu.memory_space<semaphore_mem>>)
    %dma_wait3A_296 = arith.constant 11 : i32
    %dma_wait3A_297 = arith.constant 0 : i32
    %dma_wait3A_298 = tpu.memref_slice %arg5[%dma_wait3A_296, %dma_wait3A_297] : memref<16x64xi32, #tpu.memory_space<vmem>> -> memref<1x64xi32, #tpu.memory_space<vmem>>
    %dma_wait3A_299 = tpu.memref_squeeze %dma_wait3A_298 : memref<1x64xi32, #tpu.memory_space<vmem>> -> memref<64xi32, #tpu.memory_space<vmem>>
    %dma_wait3A_300 = arith.constant 0 : i32
    %dma_wait3A_301 = arith.constant 0 : i32
    %dma_wait3A_302 = tpu.memref_slice %arg4[%dma_wait3A_300, %dma_wait3A_301] : memref<32768x512xf32, #tpu.memory_space<hbm>> -> memref<32768x512xf32, #tpu.memory_space<hbm>>
    tpu.wait_indirect_dma semaphore(%arg14 : memref<!tpu.dma_semaphore, #tpu.memory_space<semaphore_mem>>) src(%arg8 : memref<64x512xf32, #tpu.memory_space<vmem>>) dst(%dma_wait3A_302 : memref<32768x512xf32, #tpu.memory_space<hbm>>)
    %add3A_303 = arith.constant 896 : i32
    %add3A_304 = arith.addi %mul3A_2, %add3A_303 : i32
    %dma_start3A_305 = arith.constant 0 : i32
    %dma_start3A_306 = tpu.memref_slice %arg2[%add3A_304, %dma_start3A_305] : memref<32768x512xf32, #tpu.memory_space<hbm>> -> memref<64x512xf32, #tpu.memory_space<hbm>>
    %dma_start3A_307 = arith.constant 0 : i32
    %dma_start3A_308 = tpu.memref_slice %arg2[%add3A_304, %dma_start3A_307] : memref<32768x512xf32, #tpu.memory_space<hbm>> -> memref<64x512xf32, #tpu.memory_space<hbm>>
    tpu.enqueue_dma source(%dma_start3A_308 : memref<64x512xf32, #tpu.memory_space<hbm>>) target(%arg8 : memref<64x512xf32, #tpu.memory_space<vmem>>) target_semaphore(%arg11 : memref<!tpu.dma_semaphore, #tpu.memory_space<semaphore_mem>>)
    %dma_wait3A_309 = arith.constant 0 : i32
    %dma_wait3A_310 = tpu.memref_slice %arg2[%add3A_256, %dma_wait3A_309] : memref<32768x512xf32, #tpu.memory_space<hbm>> -> memref<64x512xf32, #tpu.memory_space<hbm>>
    %dma_wait3A_311 = arith.constant 0 : i32
    %dma_wait3A_312 = tpu.memref_slice %arg2[%add3A_256, %dma_wait3A_311] : memref<32768x512xf32, #tpu.memory_space<hbm>> -> memref<64x512xf32, #tpu.memory_space<hbm>>
    tpu.wait_dma2 semaphore(%arg9 : memref<!tpu.dma_semaphore, #tpu.memory_space<semaphore_mem>>) src(%dma_wait3A_312 : memref<64x512xf32, #tpu.memory_space<hbm>>) dst(%arg6 : memref<64x512xf32, #tpu.memory_space<vmem>>)
    %dma_start3A_313 = arith.constant 12 : i32
    %dma_start3A_314 = arith.constant 0 : i32
    %dma_start3A_315 = tpu.memref_slice %arg5[%dma_start3A_313, %dma_start3A_314] : memref<16x64xi32, #tpu.memory_space<vmem>> -> memref<1x64xi32, #tpu.memory_space<vmem>>
    %dma_start3A_316 = tpu.memref_squeeze %dma_start3A_315 : memref<1x64xi32, #tpu.memory_space<vmem>> -> memref<64xi32, #tpu.memory_space<vmem>>
    %dma_start3A_317 = arith.constant 0 : i32
    %dma_start3A_318 = arith.constant 0 : i32
    %dma_start3A_319 = tpu.memref_slice %arg4[%dma_start3A_317, %dma_start3A_318] : memref<32768x512xf32, #tpu.memory_space<hbm>> -> memref<32768x512xf32, #tpu.memory_space<hbm>>
    tpu.enqueue_indirect_dma source(%arg6 : memref<64x512xf32, #tpu.memory_space<vmem>>) target(%dma_start3A_319 : memref<32768x512xf32, #tpu.memory_space<hbm>>) offsets(%dma_start3A_316 : memref<64xi32, #tpu.memory_space<vmem>>) semaphore(%arg12 : memref<!tpu.dma_semaphore, #tpu.memory_space<semaphore_mem>>)
    %dma_wait3A_320 = arith.constant 12 : i32
    %dma_wait3A_321 = arith.constant 0 : i32
    %dma_wait3A_322 = tpu.memref_slice %arg5[%dma_wait3A_320, %dma_wait3A_321] : memref<16x64xi32, #tpu.memory_space<vmem>> -> memref<1x64xi32, #tpu.memory_space<vmem>>
    %dma_wait3A_323 = tpu.memref_squeeze %dma_wait3A_322 : memref<1x64xi32, #tpu.memory_space<vmem>> -> memref<64xi32, #tpu.memory_space<vmem>>
    %dma_wait3A_324 = arith.constant 0 : i32
    %dma_wait3A_325 = arith.constant 0 : i32
    %dma_wait3A_326 = tpu.memref_slice %arg4[%dma_wait3A_324, %dma_wait3A_325] : memref<32768x512xf32, #tpu.memory_space<hbm>> -> memref<32768x512xf32, #tpu.memory_space<hbm>>
    tpu.wait_indirect_dma semaphore(%arg12 : memref<!tpu.dma_semaphore, #tpu.memory_space<semaphore_mem>>) src(%arg6 : memref<64x512xf32, #tpu.memory_space<vmem>>) dst(%dma_wait3A_326 : memref<32768x512xf32, #tpu.memory_space<hbm>>)
    %add3A_327 = arith.constant 960 : i32
    %add3A_328 = arith.addi %mul3A_2, %add3A_327 : i32
    %dma_start3A_329 = arith.constant 0 : i32
    %dma_start3A_330 = tpu.memref_slice %arg2[%add3A_328, %dma_start3A_329] : memref<32768x512xf32, #tpu.memory_space<hbm>> -> memref<64x512xf32, #tpu.memory_space<hbm>>
    %dma_start3A_331 = arith.constant 0 : i32
    %dma_start3A_332 = tpu.memref_slice %arg2[%add3A_328, %dma_start3A_331] : memref<32768x512xf32, #tpu.memory_space<hbm>> -> memref<64x512xf32, #tpu.memory_space<hbm>>
    tpu.enqueue_dma source(%dma_start3A_332 : memref<64x512xf32, #tpu.memory_space<hbm>>) target(%arg6 : memref<64x512xf32, #tpu.memory_space<vmem>>) target_semaphore(%arg9 : memref<!tpu.dma_semaphore, #tpu.memory_space<semaphore_mem>>)
    %dma_wait3A_333 = arith.constant 0 : i32
    %dma_wait3A_334 = tpu.memref_slice %arg2[%add3A_280, %dma_wait3A_333] : memref<32768x512xf32, #tpu.memory_space<hbm>> -> memref<64x512xf32, #tpu.memory_space<hbm>>
    %dma_wait3A_335 = arith.constant 0 : i32
    %dma_wait3A_336 = tpu.memref_slice %arg2[%add3A_280, %dma_wait3A_335] : memref<32768x512xf32, #tpu.memory_space<hbm>> -> memref<64x512xf32, #tpu.memory_space<hbm>>
    tpu.wait_dma2 semaphore(%arg10 : memref<!tpu.dma_semaphore, #tpu.memory_space<semaphore_mem>>) src(%dma_wait3A_336 : memref<64x512xf32, #tpu.memory_space<hbm>>) dst(%arg7 : memref<64x512xf32, #tpu.memory_space<vmem>>)
    %dma_start3A_337 = arith.constant 13 : i32
    %dma_start3A_338 = arith.constant 0 : i32
    %dma_start3A_339 = tpu.memref_slice %arg5[%dma_start3A_337, %dma_start3A_338] : memref<16x64xi32, #tpu.memory_space<vmem>> -> memref<1x64xi32, #tpu.memory_space<vmem>>
    %dma_start3A_340 = tpu.memref_squeeze %dma_start3A_339 : memref<1x64xi32, #tpu.memory_space<vmem>> -> memref<64xi32, #tpu.memory_space<vmem>>
    %dma_start3A_341 = arith.constant 0 : i32
    %dma_start3A_342 = arith.constant 0 : i32
    %dma_start3A_343 = tpu.memref_slice %arg4[%dma_start3A_341, %dma_start3A_342] : memref<32768x512xf32, #tpu.memory_space<hbm>> -> memref<32768x512xf32, #tpu.memory_space<hbm>>
    tpu.enqueue_indirect_dma source(%arg7 : memref<64x512xf32, #tpu.memory_space<vmem>>) target(%dma_start3A_343 : memref<32768x512xf32, #tpu.memory_space<hbm>>) offsets(%dma_start3A_340 : memref<64xi32, #tpu.memory_space<vmem>>) semaphore(%arg13 : memref<!tpu.dma_semaphore, #tpu.memory_space<semaphore_mem>>)
    %dma_wait3A_344 = arith.constant 0 : i32
    %dma_wait3A_345 = tpu.memref_slice %arg2[%add3A_304, %dma_wait3A_344] : memref<32768x512xf32, #tpu.memory_space<hbm>> -> memref<64x512xf32, #tpu.memory_space<hbm>>
    %dma_wait3A_346 = arith.constant 0 : i32
    %dma_wait3A_347 = tpu.memref_slice %arg2[%add3A_304, %dma_wait3A_346] : memref<32768x512xf32, #tpu.memory_space<hbm>> -> memref<64x512xf32, #tpu.memory_space<hbm>>
    tpu.wait_dma2 semaphore(%arg11 : memref<!tpu.dma_semaphore, #tpu.memory_space<semaphore_mem>>) src(%dma_wait3A_347 : memref<64x512xf32, #tpu.memory_space<hbm>>) dst(%arg8 : memref<64x512xf32, #tpu.memory_space<vmem>>)
    %dma_start3A_348 = arith.constant 14 : i32
    %dma_start3A_349 = arith.constant 0 : i32
    %dma_start3A_350 = tpu.memref_slice %arg5[%dma_start3A_348, %dma_start3A_349] : memref<16x64xi32, #tpu.memory_space<vmem>> -> memref<1x64xi32, #tpu.memory_space<vmem>>
    %dma_start3A_351 = tpu.memref_squeeze %dma_start3A_350 : memref<1x64xi32, #tpu.memory_space<vmem>> -> memref<64xi32, #tpu.memory_space<vmem>>
    %dma_start3A_352 = arith.constant 0 : i32
    %dma_start3A_353 = arith.constant 0 : i32
    %dma_start3A_354 = tpu.memref_slice %arg4[%dma_start3A_352, %dma_start3A_353] : memref<32768x512xf32, #tpu.memory_space<hbm>> -> memref<32768x512xf32, #tpu.memory_space<hbm>>
    tpu.enqueue_indirect_dma source(%arg8 : memref<64x512xf32, #tpu.memory_space<vmem>>) target(%dma_start3A_354 : memref<32768x512xf32, #tpu.memory_space<hbm>>) offsets(%dma_start3A_351 : memref<64xi32, #tpu.memory_space<vmem>>) semaphore(%arg14 : memref<!tpu.dma_semaphore, #tpu.memory_space<semaphore_mem>>)
    %dma_wait3A_355 = arith.constant 0 : i32
    %dma_wait3A_356 = tpu.memref_slice %arg2[%add3A_328, %dma_wait3A_355] : memref<32768x512xf32, #tpu.memory_space<hbm>> -> memref<64x512xf32, #tpu.memory_space<hbm>>
    %dma_wait3A_357 = arith.constant 0 : i32
    %dma_wait3A_358 = tpu.memref_slice %arg2[%add3A_328, %dma_wait3A_357] : memref<32768x512xf32, #tpu.memory_space<hbm>> -> memref<64x512xf32, #tpu.memory_space<hbm>>
    tpu.wait_dma2 semaphore(%arg9 : memref<!tpu.dma_semaphore, #tpu.memory_space<semaphore_mem>>) src(%dma_wait3A_358 : memref<64x512xf32, #tpu.memory_space<hbm>>) dst(%arg6 : memref<64x512xf32, #tpu.memory_space<vmem>>)
    %dma_start3A_359 = arith.constant 15 : i32
    %dma_start3A_360 = arith.constant 0 : i32
    %dma_start3A_361 = tpu.memref_slice %arg5[%dma_start3A_359, %dma_start3A_360] : memref<16x64xi32, #tpu.memory_space<vmem>> -> memref<1x64xi32, #tpu.memory_space<vmem>>
    %dma_start3A_362 = tpu.memref_squeeze %dma_start3A_361 : memref<1x64xi32, #tpu.memory_space<vmem>> -> memref<64xi32, #tpu.memory_space<vmem>>
    %dma_start3A_363 = arith.constant 0 : i32
    %dma_start3A_364 = arith.constant 0 : i32
    %dma_start3A_365 = tpu.memref_slice %arg4[%dma_start3A_363, %dma_start3A_364] : memref<32768x512xf32, #tpu.memory_space<hbm>> -> memref<32768x512xf32, #tpu.memory_space<hbm>>
    tpu.enqueue_indirect_dma source(%arg6 : memref<64x512xf32, #tpu.memory_space<vmem>>) target(%dma_start3A_365 : memref<32768x512xf32, #tpu.memory_space<hbm>>) offsets(%dma_start3A_362 : memref<64xi32, #tpu.memory_space<vmem>>) semaphore(%arg12 : memref<!tpu.dma_semaphore, #tpu.memory_space<semaphore_mem>>)
    %dma_wait3A_366 = arith.constant 13 : i32
    %dma_wait3A_367 = arith.constant 0 : i32
    %dma_wait3A_368 = tpu.memref_slice %arg5[%dma_wait3A_366, %dma_wait3A_367] : memref<16x64xi32, #tpu.memory_space<vmem>> -> memref<1x64xi32, #tpu.memory_space<vmem>>
    %dma_wait3A_369 = tpu.memref_squeeze %dma_wait3A_368 : memref<1x64xi32, #tpu.memory_space<vmem>> -> memref<64xi32, #tpu.memory_space<vmem>>
    %dma_wait3A_370 = arith.constant 0 : i32
    %dma_wait3A_371 = arith.constant 0 : i32
    %dma_wait3A_372 = tpu.memref_slice %arg4[%dma_wait3A_370, %dma_wait3A_371] : memref<32768x512xf32, #tpu.memory_space<hbm>> -> memref<32768x512xf32, #tpu.memory_space<hbm>>
    tpu.wait_indirect_dma semaphore(%arg13 : memref<!tpu.dma_semaphore, #tpu.memory_space<semaphore_mem>>) src(%arg7 : memref<64x512xf32, #tpu.memory_space<vmem>>) dst(%dma_wait3A_372 : memref<32768x512xf32, #tpu.memory_space<hbm>>)
    %dma_wait3A_373 = arith.constant 14 : i32
    %dma_wait3A_374 = arith.constant 0 : i32
    %dma_wait3A_375 = tpu.memref_slice %arg5[%dma_wait3A_373, %dma_wait3A_374] : memref<16x64xi32, #tpu.memory_space<vmem>> -> memref<1x64xi32, #tpu.memory_space<vmem>>
    %dma_wait3A_376 = tpu.memref_squeeze %dma_wait3A_375 : memref<1x64xi32, #tpu.memory_space<vmem>> -> memref<64xi32, #tpu.memory_space<vmem>>
    %dma_wait3A_377 = arith.constant 0 : i32
    %dma_wait3A_378 = arith.constant 0 : i32
    %dma_wait3A_379 = tpu.memref_slice %arg4[%dma_wait3A_377, %dma_wait3A_378] : memref<32768x512xf32, #tpu.memory_space<hbm>> -> memref<32768x512xf32, #tpu.memory_space<hbm>>
    tpu.wait_indirect_dma semaphore(%arg14 : memref<!tpu.dma_semaphore, #tpu.memory_space<semaphore_mem>>) src(%arg8 : memref<64x512xf32, #tpu.memory_space<vmem>>) dst(%dma_wait3A_379 : memref<32768x512xf32, #tpu.memory_space<hbm>>)
    %dma_wait3A_380 = arith.constant 15 : i32
    %dma_wait3A_381 = arith.constant 0 : i32
    %dma_wait3A_382 = tpu.memref_slice %arg5[%dma_wait3A_380, %dma_wait3A_381] : memref<16x64xi32, #tpu.memory_space<vmem>> -> memref<1x64xi32, #tpu.memory_space<vmem>>
    %dma_wait3A_383 = tpu.memref_squeeze %dma_wait3A_382 : memref<1x64xi32, #tpu.memory_space<vmem>> -> memref<64xi32, #tpu.memory_space<vmem>>
    %dma_wait3A_384 = arith.constant 0 : i32
    %dma_wait3A_385 = arith.constant 0 : i32
    %dma_wait3A_386 = tpu.memref_slice %arg4[%dma_wait3A_384, %dma_wait3A_385] : memref<32768x512xf32, #tpu.memory_space<hbm>> -> memref<32768x512xf32, #tpu.memory_space<hbm>>
    tpu.wait_indirect_dma semaphore(%arg12 : memref<!tpu.dma_semaphore, #tpu.memory_space<semaphore_mem>>) src(%arg6 : memref<64x512xf32, #tpu.memory_space<vmem>>) dst(%dma_wait3A_386 : memref<32768x512xf32, #tpu.memory_space<hbm>>)
    return
  }
}

</mosaic_0001>

<sc_bundles>
// kernel: kernel.3.cloned.1.call-start
scs
__scs_entry_jumppad:
0x0: {  	(pc) =	sbr.rel $0x88, $3  }
0x1: {  	(tag) =	ssettag $0x0;
	lr =	simm.s32 $0x1  }
0x2: {  	[smem:$0x3FA0] =	sst lr;
	_ =	strace $0xD0000000  }
0x3: {  	_ = 	snop  }
0x4: {  	_ = 	snop  }
0x5: {  	_ = 	snop  }
0x6: {  	_ = 	snop  }
0x7: {  	_ = 	snop  }
__scs_overlays_trampoline_lowered:
0x8: {  	[smem:$0x3FAF] =	sst s0  }
0x9: {  	[smem:$0x3FB0] =	sst s1  }
0xa: {  	[smem:$0x3FB1] =	sst s2  }
0xb: {  	[smem:$0x3FB2] =	sst s3  }
0xc: {  	[smem:$0x3FB3] =	sst s4  }
0xd: {  	[smem:$0x3FB4] =	sst s5  }
0xe: {  	[smem:$0x3FB5] =	sst s6  }
0xf: {  	[smem:$0x3FB6] =	sst s7  }
0x10: {  	[smem:$0x3FB7] =	sst s8  }
0x11: {  	[smem:$0x3FB8] =	sst s9;
	s0 =	simm.s32 @!p0 $0x0  }
0x12: {  	s1 =	sld [smem:$0x3F9E];
	s0 =	simm.s32 @p0 $0x1  }
0x13: {  	[smem:$0x3FB9] =	sst s0;
	s0 =	simm.s32 @!p1 $0x0  }
0x14: {  	s2 =	sld [smem:$0x3F9D];
	s0 =	simm.s32 @p1 $0x1  }
0x15: {  	[smem:$0x3FBA] =	sst s0;
	s0 =	simm.s32 @!p2 $0x0  }
0x16: {  	s3 =	sld [smem:$0x3FDB];
	s0 =	simm.s32 @p2 $0x1  }
0x17: {  	s4 =	simm.s32 $0x1BF5;
	[smem:$0x3FBC] =	sst s0  }
0x18: {  	s0 =	sld [smem:$0x3F9F];
	_ =	swait.ge [sflag:s4], $0x0  }
0x19: {  	s7 =	sld [smem:$0x3FA0]  }
0x1a: {  	s8 =	sadd.s32 $0xFFFFE003, lr  }
0x1b: {  	s9 =	sadd.s32 $0xFFFFFEF7, lr;
	s5 =	simm.s32 $0xFFFFFFFF;
	p2 =	slt.u32 s8, $0xFFFFF086  }
0x1c: {  	p1 =	slt.u32 s9, $0xF7A;
	s5 =	simm.s32 @!p2 $0x0  }
0x1d: {  	s5 =	simm.s32 @p1 $0x1;
	p0 =	seq.s32 s7, s2  }
0x1e: {  	s7 =	smul.u32 @!p0 $0xF7A, s2;
	p2 =	seq.s32 @!p0 s5, $0x0  }
0x1f: {  	s9 =	smul.u32 $0xF7A, s1;
	s8 =	simm.s32 @!p0 $0x1BF5;
	p2 =	por !p2, p0  }
0x20: {  	[sflag:s8] =	ssyncset.s32 @!p0 $0xFFFFF086;
	s6 =	sadd.s32 @!p0 s3, s7;
	s7 =	simm.s32 @!p0 $0x108  }
0x21: {  	s3 =	sadd.s32 s3, s9;
	s6 =	sadd.s32 @!p0 $0x88, s6;
	s7 =	simm.s32 @p2 $0x1082  }
0x22: {  	[simem:s7], [sflag:s8] =	dma.local @!p0 [hbm:s6], $0xF7A  }
0x23: {  	s9 =	sor.u32 $0xD0000000, s2;
	s6 =	simm.s32 $0x108;
	_ =	swait.ge @!p0 [sflag:s8], $0x0  }
0x24: {  	s3 =	sadd.s32 $0x88, s3;
	s6 =	simm.s32 @!p1 $0x1082;
	[sflag:s4] =	ssyncset.s32 $0xFFFFF086  }
0x25: {  	[simem:s6], [sflag:s4] =	dma.local [hbm:s3], $0xF7A  }
0x26: {  	[smem:$0x3FA0] =	sst s1;
	(tag) =	ssettag s2;
	_ =	strace s9  }
0x27: {  	s1 =	sld [smem:$0x3FB0]  }
0x28: {  	s2 =	sld [smem:$0x3FB1]  }
0x29: {  	s4 =	sld [smem:$0x3FB3]  }
0x2a: {  	p0 =	seq.s32 s5, $0x0;
	s5 =	sld [smem:$0x3FB4]  }
0x2b: {  	s6 =	sld [smem:$0x3FB5]  }
0x2c: {  	s7 =	sld [smem:$0x3FB6]  }
0x2d: {  	s3 =	simm.s32 $0x108;
	s8 =	sld [smem:$0x3FB7]  }
0x2e: {  	s3 =	simm.s32 @!p0 $0x1082;
	s9 =	sld [smem:$0x3FB8]  }
0x2f: {  	lr =	sadd.s32 s0, s3;
	s0 =	sld [smem:$0x3FAF]  }
0x30: {  	s3 =	sld [smem:$0x3FB2]  }
0x31: {  	[smem:$0x3FBB] =	sst s10  }
0x32: {  	s10 =	sld [smem:$0x3FB9];
	_ =	sdelay $0x3  }
0x33: {  	p0 =	seq.s32 s10, $0x1;
	s10 =	sld [smem:$0x3FBB];
	_ =	sdelay $0x3  }
0x34: {  	[smem:$0x3FBB] =	sst s10  }
0x35: {  	s10 =	sld [smem:$0x3FBA];
	_ =	sdelay $0x3  }
0x36: {  	p1 =	seq.s32 s10, $0x1;
	s10 =	sld [smem:$0x3FBB];
	_ =	sdelay $0x3  }
0x37: {  	[smem:$0x3FBB] =	sst s10  }
0x38: {  	s10 =	sld [smem:$0x3FBC]  }
0x39: {  	_ = 	snop;
	(pc) =	sbr.ind lr, $3  }
0x3a: {  	_ = 	snop  }
0x3b: {  	_ = 	snop  }
0x3c: {  	p2 =	seq.s32 s10, $0x1;
	s10 =	sld [smem:$0x3FBB]  }
0x3d: {  	_ =	shalt  }
0x3e: {  	_ =	shalt  }
0x3f: {  	_ =	shalt  }
0x40: {  	_ =	shalt  }
0x41: {  	_ =	shalt  }
0x42: {  	_ =	shalt  }
0x43: {  	_ =	shalt  }
0x44: {  	_ =	shalt  }
0x45: {  	_ =	shalt  }
0x46: {  	_ =	shalt  }
0x47: {  	_ =	shalt  }
0x48: {  	_ =	shalt  }
0x49: {  	_ =	shalt  }
0x4a: {  	_ =	shalt  }
0x4b: {  	_ =	shalt  }
0x4c: {  	_ =	shalt  }
0x4d: {  	_ =	shalt  }
0x4e: {  	_ =	shalt  }
0x4f: {  	_ =	shalt  }
0x50: {  	_ =	shalt  }
0x51: {  	_ =	shalt  }
0x52: {  	_ =	shalt  }
0x53: {  	_ =	shalt  }
0x54: {  	_ =	shalt  }
0x55: {  	_ =	shalt  }
0x56: {  	_ =	shalt  }
0x57: {  	_ =	shalt  }
0x58: {  	_ =	shalt  }
0x59: {  	_ =	shalt  }
0x5a: {  	_ =	shalt  }
0x5b: {  	_ =	shalt  }
0x5c: {  	_ =	shalt  }
0x5d: {  	_ =	shalt  }
0x5e: {  	_ =	shalt  }
0x5f: {  	_ =	shalt  }
0x60: {  	_ =	shalt  }
0x61: {  	_ =	shalt  }
0x62: {  	_ =	shalt  }
0x63: {  	_ =	shalt  }
0x64: {  	_ =	shalt  }
0x65: {  	_ =	shalt  }
0x66: {  	_ =	shalt  }
0x67: {  	_ =	shalt  }
0x68: {  	_ =	shalt  }
0x69: {  	_ =	shalt  }
0x6a: {  	_ =	shalt  }
0x6b: {  	_ =	shalt  }
0x6c: {  	_ =	shalt  }
0x6d: {  	_ =	shalt  }
0x6e: {  	_ =	shalt  }
0x6f: {  	_ =	shalt  }
0x70: {  	_ =	shalt  }
0x71: {  	_ =	shalt  }
0x72: {  	_ =	shalt  }
0x73: {  	_ =	shalt  }
0x74: {  	_ =	shalt  }
0x75: {  	_ =	shalt  }
0x76: {  	_ =	shalt  }
0x77: {  	_ =	shalt  }
0x78: {  	_ =	shalt  }
0x79: {  	_ =	shalt  }
0x7a: {  	_ =	shalt  }
0x7b: {  	_ =	shalt  }
0x7c: {  	_ =	shalt  }
0x7d: {  	_ =	shalt  }
0x7e: {  	_ =	shalt  }
0x7f: {  	_ =	shalt  }
0x80: {  	_ =	shalt  }
0x81: {  	_ =	shalt  }
0x82: {  	_ =	shalt  }
0x83: {  	_ =	shalt  }
0x84: {  	_ =	shalt  }
0x85: {  	_ =	shalt  }
0x86: {  	_ =	shalt  }
0x87: {  	_ =	shalt  }
.Lfunc_end0:
.L_simem_size_0:
called_computation_lowered:
.L_overlay_start_0:
0x88: {  	s2 =	sld [smem:$0x3FD9]  }
0x89: {  	s3 =	sld [smem:$0x3FFE];
	_ =	sdelay $0x1  }
0x8a: {  	s1 =	srdreg.scid  }
0x8b: {  	s0 =	sand.u32 $0x1, s1  }
0x8c: {  	s17 =	sshll.u32 s0, $0xA;
	s2 =	sadd.s32 s3, s2  }
0x8d: {  	s2 =	sadd.s32 s2, s17  }
0x8e: {  	[smem:$0x3FC7] =	sst s2  }
0x8f: {  	_ = 	snop  }
0x90: {  	s2 =	sld [smem:$0x3FC9]  }
0x91: {  	s18 =	sld [smem:$0x3FD0];
	(tm) =	ssettm $0x1  }
0x92: {  	s4 =	sld [smem:$0x3FFB];
	_ =	sdelay $0x3  }
0x93: {  	_ =	strace s4  }
0x94: {  	s4 =	sld [smem:$0x3FFC];
	_ =	sdelay $0x3  }
0x95: {  	_ =	strace s4  }
0x96: {  	s4 =	sld [smem:$0x3FFD];
	_ =	sdelay $0x3  }
0x97: {  	_ =	strace s4  }
0x98: {  	_ =	strace $0x8FFFFFFF  }
0x99: {  	s19 =	sld [smem:$0x3FDB];
	_ =	sdelay $0x1  }
0x9a: {  	s5 =	simm.s32 $_scs_section_size  }
0x9b: {  	s6 =	simm.s32 $_size__tile_overlayer_lowered;
	s7 =	simm.s32 $_tile_overlayer_lowered  }
0x9c: {  	s22 =	simm.s32 $0x1BFF;
	s21 =	sshll.u32 s7, $0x1;
	s4 =	sadd.s32 s5, s19  }
0x9d: {  	s8 =	simm.s32 $0x0;
	s20 =	sshll.u32 s6, $0x1;
	s6 =	sadd.s32 s21, s4  }
0x9e: {  	[timem:s8], [sflag:s22] =	dma.local [hbm:s6], s20  }
0x9f: {  	_ =	swait.ge [sflag:s22], s20  }
0xa0: {  	s5 =	ssub.s32 $0x0, s20;
	[sflag:s22] =	ssyncset.done $0x0  }
0xa1: {  	[sflag:s22] =	ssyncadd.s32 s5;
	_ =	sdelay $0x1  }
0xa2: {  	s23 =	simm.s32 $0x1B8B  }
0xa3: {  	_ =	swait.ge [sflag:s23], $0x1  }
0xa4: {  	[sflag:s23] =	ssyncset.done $0x0  }
0xa5: {  	s25 =	simm.s32 $0x1B8E;
	s24 =	sld [smem:$0x3FFE];
	[sflag:s23] =	ssyncadd.s32 $0xFFFFFFFF  }
0xa6: {  	s26 =	simm.s32 $execute0_lowered;
	[smem:$0x3FD2] =	sst s25  }
0xa7: {  	s6 =	sshll.u32 s26, $0x1;
	_ =	strace $0x80000046;
	[dreg:$0x1] =	wrdreg $0xFFFFFFFF  }
0xa8: {  	s28 =	simm.s32 $_size_execute0_lowered;
	s4 =	sadd.s32 s4, s6;
	[dreg:$0x0] =	wrdreg $0x0  }
0xa9: {  	s6 =	sshll.u32 s28, $0x1;
	[dreg:$0x2] =	wrdreg s4  }
0xaa: {  	[dreg:$0x3] =	wrdreg s6  }
0xab: {  	[dreg:$0x4] =	wrdreg $0xC0  }
0xac: {  	_ =	task [dreg:s8], $0x5FFFF  }
0xad: {  	[dreg:$0x1] =	wrdreg $0xFFFFFFFF  }
0xae: {  	[dreg:$0x0] =	wrdreg $0x60  }
0xaf: {  	[dreg:$0x2] =	wrdreg s2  }
0xb0: {  	[dreg:$0x3] =	wrdreg s24  }
0xb1: {  	[dreg:$0x4] =	wrdreg s18  }
0xb2: {  	[dreg:$0x5] =	wrdreg $0x9  }
0xb3: {  	_ =	task.clear_ibuf [dreg:s8], $0x6FFFF;
	_ =	strace $0x90000046  }
0xb4: {  	s29 =	simm.s32 $0x9;
	_ =	strace $0x80000048  }
0xb5: {  	_ =	swait.ge [sflag:s29], $0x1  }
0xb6: {  	[sflag:s29] =	ssyncadd.s32 $0xFFFFFFFF  }
0xb7: {  	_ =	strace $0x90000048  }
0xb8: {  	_ =	sfence  }
0xb9: {  	s30 =	sld [smem:$0x0];
	_ =	sdelay $0x2  }
0xba: {  	s31 =	sshll.u32 s1, $0xD;
	s1 =	sshrl.u32 s1, $0x2  }
0xbb: {  	s3 =	sand.u32 $0x4000, s31;
	s1 =	sadd.s32 s1, s30  }
0xbc: {  	s0 =	sor.u32 s3, s0;
	s1 =	sshll.u32 s1, $0x11  }
0xbd: {  	s0 =	sor.u32 s1, s0  }
0xbe: {  	s0 =	sadd.s32 $0x8F2B, s0  }
0xbf: {  	[sflag:s0] =	ssyncadd.remote.s32 $0x1  }
0xc0: {  	_ =	sfence.sel $0xFFFF  }
0xc1: {  	[dreg:$0x0] =	wrdreg $0xFFFFFFFF;
	(pc) =	sbr.abs _section_cstart, $3  }
0xc2: {  	[dreg:$0x1] =	wrdreg $0xFFFFFFFF  }
0xc3: {  	_ =	task.clear_ibuf [dreg:s8], $0x2FFFF;
	_ =	strace $0x9FFFFFFF  }
0xc4: {  	(tm) =	ssettm $0x7FFFFFFF  }
0xc5: {  	_ =	shalt  }
tec
execute0_lowered:
.L_overlay_start_1:
0x0: {  	(tag) =	ssettag $0x1  }
0x1: {  	s0 =	rddreg [dreg:$0x0]  }
0x2: {  	s1 =	srdreg.scid;
	s2 =	stileid.u32  }
0x3: {  	s4 =	rddreg [dreg:$0x1];
	s1 =	sand.u32 $0x1, s1;
	s3 =	sshll.u32 s2, $0x1  }
0x4: {  	s2 =	rddreg [dreg:$0x2];
	s5 =	sor.u32 s1, s3;
	s3 =	simm.s32 $0x0  }
0x5: {  	s6 =	sshll.u32 s5, $0x10;
	[smem:$0x7FF] =	sst s3  }
0x6: {  	s5 =	sshll.u32 s5, $0x8;
	s6 =	sadd.s32 s0, s6;
	_ =	strace $0x80000047  }
0x7: {  	s12 =	sadd.s32 s5, s4;
	s13 =	sadd.s32 $0x1000, s6;
	[dreg:$0x14] =	wrdreg s6  }
0x8: {  	s0 =	sadd.s32 $0x400, s12;
	[dreg:$0x4] =	wrdreg s13  }
0x9: {  	s14 =	sadd.s32 $0x2000, s6;
	[dreg:$0x5] =	wrdreg s0  }
0xa: {  	s15 =	sadd.s32 $0x3000, s6;
	[dreg:$0x6] =	wrdreg s14  }
0xb: {  	s16 =	sadd.s32 $0x4000, s6;
	[dreg:$0x7] =	wrdreg s15  }
0xc: {  	s8 =	simm.s32 $0x800;
	s17 =	sadd.s32 $0x5000, s6;
	[dreg:$0x8] =	wrdreg s16  }
0xd: {  	s11 =	simm.s32 $0x1;
	s18 =	sadd.s32 $0x6000, s6;
	[dreg:$0x9] =	wrdreg s17  }
0xe: {  	s28 =	simm.s32 $0x4;
	s19 =	sadd.s32 $0x7000, s6;
	[dreg:$0xa] =	wrdreg s18  }
0xf: {  	s29 =	simm.s32 $0x2;
	s20 =	sadd.s32 $0x8000, s6;
	[dreg:$0xb] =	wrdreg s19  }
0x10: {  	s10 =	simm.s32 $0x8800;
	s21 =	sadd.s32 $0x9000, s6;
	[dreg:$0xc] =	wrdreg s20  }
0x11: {  	s1 =	ssub.s32 $0x2, s1;
	s22 =	sadd.s32 $0xA000, s6;
	[dreg:$0xd] =	wrdreg s21  }
0x12: {  	s25 =	sshrl.u32 s1, $0x1;
	s23 =	sadd.s32 $0xB000, s6;
	[dreg:$0xe] =	wrdreg s22  }
0x13: {  	s1 =	ssub.s32 s1, s25;
	s24 =	sadd.s32 $0xC000, s6;
	[dreg:$0xf] =	wrdreg s23  }
0x14: {  	s5 =	sadd.s32 $0x100, s2;
	s26 =	sadd.s32 $0xD000, s6;
	[dreg:$0x10] =	wrdreg s24  }
0x15: {  	v2 =	vlaneseq.u32;
	s4 =	simm.s32 $0x3;
	s30 =	sadd.s32 $0xE000, s6;
	[dreg:$0x11] =	wrdreg s26  }
0x16: {  	vm0 =	vmmov $0xffff;
	v1 =	vshrl.u32 v2, $0x3;
	s31 =	sadd.s32 $0xF000, s6;
	s6 =	smax.u32 s1, $0x1;
	[dreg:$0x12] =	wrdreg s30  }
0x17: {  	v0 =	vand.u32 $0x7, v2;
	v2 =	vor.u32 $0x8, v2;
	v1 =	vmul.u32 $0x8, v1;
	s1 =	simm.s32 $0x6;
	[dreg:$0x13] =	wrdreg s31;
	s0 =	simm.s32 $0x5  }
.LBB2_1:
0x18: {  	s30 =	rddreg [dreg:$0x14]  }
0x19: {  	[tilespmem:s8], [sflag:$0x1] =	stream.linear.gather [hbm4b:s30+s3], $0x8000, $0x38;
	[tilespmem:$0x18800] =	vst v63  }
0x1a: {  	s9 =	rddreg [dreg:$0x4]  }
0x1b: {  	[tilespmem:s10], [sflag:$0x2] =	stream.linear.gather [hbm4b:s9+s3], $0x8000, $0x38;
	[tilespmem:$0x18800] =	vst v63  }
0x1c: {  	s12 =	rddreg [dreg:$0x5];
	s13 =	simm.s32 $0x7  }
0x1d: {  	[tilespmem:s3], [sflag:$0x7] =	stream.linear.gather [hbm4b:s12+s3], $0x800, $0x38;
	[tilespmem:$0x18800] =	vst v63  }
0x1e: {  	_ =	swait.ge [sflag:s13], $0x800  }
0x1f: {  	[sflag:s13] =	ssyncset.done $0x0  }
0x20: {  	s7 =	simm.s32 $0x10800;
	s14 =	rddreg [dreg:$0x6];
	[sflag:s13] =	ssyncadd.s32 $0xFFFFF800  }
0x21: {  	[tilespmem:s7], [sflag:$0x3] =	stream.linear.gather [hbm4b:s14+s3], $0x8000, $0x38;
	[tilespmem:$0x18800] =	vst v63  }
0x22: {  	_ =	swait.ge [sflag:s11], $0x8000  }
0x23: {  	[sflag:s11] =	ssyncset.done $0x0  }
0x24: {  	[sflag:s11] =	ssyncadd.s32 $0xFFFF8000  }
0x25: {  	v3 =	vld [tilespmem:$0x0];
	_ =	sdelay $0x4  }
0x26: {  	v4 =	vshll.u32 v3, $0x2  }
0x27: {  	v3 =	vand.u32 $0x7, v3;
	v4 =	vand.u32 $0xFFFFFFE0, v4  }
0x28: {  	v3 =	vor.u32 v3, v4  }
0x29: {  	v4 =	vperm.xlane v3, v0;
	_ =	sdelay $0x1  }
0x2a: {  	v4 =	vadd.s32 v1, v4;
	_ =	sdelay $0x1  }
0x2b: {  	v3 =	vperm.xlane v3, v2;
	_ =	sdelay $0x1  }
0x2c: {  	v3 =	vadd.s32 v1, v3  }
0x2d: {  	[hbm4b:s2+s3] =	stream.indirect_vreg.scatter [tilespmem:s8], [sflag:$0x4], $0x80, v4, vm0, $0xb8;
	[tilespmem:$0x18800] =	vst v63  }
0x2e: {  	s15 =	simm.s32 $0x1000  }
0x2f: {  	[hbm4b:s5+s3] =	stream.indirect_vreg.scatter [tilespmem:s15], [sflag:$0x4], $0x80, v4, vm0, $0xb8;
	[tilespmem:$0x18800] =	vst v63  }
0x30: {  	s16 =	simm.s32 $0x1800  }
0x31: {  	[hbm4b:s2+s3] =	stream.indirect_vreg.scatter [tilespmem:s16], [sflag:$0x4], $0x80, v3, vm0, $0xb8;
	[tilespmem:$0x18800] =	vst v63  }
0x32: {  	s17 =	simm.s32 $0x2000  }
0x33: {  	[hbm4b:s5+s3] =	stream.indirect_vreg.scatter [tilespmem:s17], [sflag:$0x4], $0x80, v3, vm0, $0xb8;
	[tilespmem:$0x18800] =	vst v63  }
0x34: {  	v3 =	vld [tilespmem:$0x10];
	_ =	sdelay $0x4  }
0x35: {  	v57 =	vshll.u32 v3, $0x2  }
0x36: {  	v3 =	vand.u32 $0x7, v3;
	v4 =	vand.u32 $0xFFFFFFE0, v57  }
0x37: {  	v3 =	vor.u32 v3, v4  }
0x38: {  	v4 =	vperm.xlane v3, v0;
	_ =	sdelay $0x1  }
0x39: {  	v4 =	vadd.s32 v1, v4;
	_ =	sdelay $0x1  }
0x3a: {  	v3 =	vperm.xlane v3, v2;
	_ =	sdelay $0x1  }
0x3b: {  	s18 =	simm.s32 $0x2800;
	v3 =	vadd.s32 v1, v3  }
0x3c: {  	[hbm4b:s2+s3] =	stream.indirect_vreg.scatter [tilespmem:s18], [sflag:$0x4], $0x80, v4, vm0, $0xb8;
	[tilespmem:$0x18800] =	vst v63  }
0x3d: {  	s19 =	simm.s32 $0x3000  }
0x3e: {  	[hbm4b:s5+s3] =	stream.indirect_vreg.scatter [tilespmem:s19], [sflag:$0x4], $0x80, v4, vm0, $0xb8;
	[tilespmem:$0x18800] =	vst v63  }
0x3f: {  	s20 =	simm.s32 $0x3800  }
0x40: {  	[hbm4b:s2+s3] =	stream.indirect_vreg.scatter [tilespmem:s20], [sflag:$0x4], $0x80, v3, vm0, $0xb8;
	[tilespmem:$0x18800] =	vst v63  }
0x41: {  	s22 =	simm.s32 $0x4000  }
0x42: {  	[hbm4b:s5+s3] =	stream.indirect_vreg.scatter [tilespmem:s22], [sflag:$0x4], $0x80, v3, vm0, $0xb8;
	[tilespmem:$0x18800] =	vst v63  }
0x43: {  	v3 =	vld [tilespmem:$0x20];
	_ =	sdelay $0x4  }
0x44: {  	v58 =	vshll.u32 v3, $0x2  }
0x45: {  	v3 =	vand.u32 $0x7, v3;
	v4 =	vand.u32 $0xFFFFFFE0, v58  }
0x46: {  	v3 =	vor.u32 v3, v4  }
0x47: {  	v4 =	vperm.xlane v3, v0;
	_ =	sdelay $0x1  }
0x48: {  	v4 =	vadd.s32 v1, v4;
	_ =	sdelay $0x1  }
0x49: {  	v3 =	vperm.xlane v3, v2;
	_ =	sdelay $0x1  }
0x4a: {  	s23 =	simm.s32 $0x4800;
	v3 =	vadd.s32 v1, v3  }
0x4b: {  	[hbm4b:s2+s3] =	stream.indirect_vreg.scatter [tilespmem:s23], [sflag:$0x4], $0x80, v4, vm0, $0xb8;
	[tilespmem:$0x18800] =	vst v63  }
0x4c: {  	s24 =	simm.s32 $0x5000  }
0x4d: {  	[hbm4b:s5+s3] =	stream.indirect_vreg.scatter [tilespmem:s24], [sflag:$0x4], $0x80, v4, vm0, $0xb8;
	[tilespmem:$0x18800] =	vst v63  }
0x4e: {  	s25 =	simm.s32 $0x5800  }
0x4f: {  	[hbm4b:s2+s3] =	stream.indirect_vreg.scatter [tilespmem:s25], [sflag:$0x4], $0x80, v3, vm0, $0xb8;
	[tilespmem:$0x18800] =	vst v63  }
0x50: {  	s12 =	simm.s32 $0x6000  }
0x51: {  	[hbm4b:s5+s3] =	stream.indirect_vreg.scatter [tilespmem:s12], [sflag:$0x4], $0x80, v3, vm0, $0xb8;
	[tilespmem:$0x18800] =	vst v63  }
0x52: {  	v3 =	vld [tilespmem:$0x30];
	_ =	sdelay $0x4  }
0x53: {  	v59 =	vshll.u32 v3, $0x2  }
0x54: {  	v3 =	vand.u32 $0x7, v3;
	v4 =	vand.u32 $0xFFFFFFE0, v59  }
0x55: {  	v3 =	vor.u32 v3, v4  }
0x56: {  	v4 =	vperm.xlane v3, v0;
	_ =	sdelay $0x1  }
0x57: {  	v4 =	vadd.s32 v1, v4;
	_ =	sdelay $0x1  }
0x58: {  	v3 =	vperm.xlane v3, v2;
	_ =	sdelay $0x1  }
0x59: {  	s13 =	simm.s32 $0x6800;
	v3 =	vadd.s32 v1, v3  }
0x5a: {  	[hbm4b:s2+s3] =	stream.indirect_vreg.scatter [tilespmem:s13], [sflag:$0x4], $0x80, v4, vm0, $0xb8;
	[tilespmem:$0x18800] =	vst v63  }
0x5b: {  	s14 =	simm.s32 $0x7000  }
0x5c: {  	[hbm4b:s5+s3] =	stream.indirect_vreg.scatter [tilespmem:s14], [sflag:$0x4], $0x80, v4, vm0, $0xb8;
	[tilespmem:$0x18800] =	vst v63  }
0x5d: {  	s15 =	simm.s32 $0x7800  }
0x5e: {  	[hbm4b:s2+s3] =	stream.indirect_vreg.scatter [tilespmem:s15], [sflag:$0x4], $0x80, v3, vm0, $0xb8;
	[tilespmem:$0x18800] =	vst v63  }
0x5f: {  	s16 =	simm.s32 $0x8000  }
0x60: {  	[hbm4b:s5+s3] =	stream.indirect_vreg.scatter [tilespmem:s16], [sflag:$0x4], $0x80, v3, vm0, $0xb8;
	[tilespmem:$0x18800] =	vst v63  }
0x61: {  	_ =	swait.ge [sflag:s28], $0x8000  }
0x62: {  	[sflag:s28] =	ssyncset.done $0x0  }
0x63: {  	s17 =	rddreg [dreg:$0x7];
	[sflag:s28] =	ssyncadd.s32 $0xFFFF8000  }
0x64: {  	[tilespmem:s8], [sflag:$0x1] =	stream.linear.gather [hbm4b:s17+s3], $0x8000, $0x38;
	[tilespmem:$0x18800] =	vst v63  }
0x65: {  	_ =	swait.ge [sflag:s29], $0x8000  }
0x66: {  	[sflag:s29] =	ssyncset.done $0x0  }
0x67: {  	[sflag:s29] =	ssyncadd.s32 $0xFFFF8000  }
0x68: {  	v3 =	vld [tilespmem:$0x80];
	_ =	sdelay $0x4  }
0x69: {  	v60 =	vshll.u32 v3, $0x2  }
0x6a: {  	v3 =	vand.u32 $0x7, v3;
	v4 =	vand.u32 $0xFFFFFFE0, v60  }
0x6b: {  	v3 =	vor.u32 v3, v4  }
0x6c: {  	v4 =	vperm.xlane v3, v0;
	_ =	sdelay $0x1  }
0x6d: {  	v4 =	vadd.s32 v1, v4;
	_ =	sdelay $0x1  }
0x6e: {  	v3 =	vperm.xlane v3, v2;
	_ =	sdelay $0x1  }
0x6f: {  	v3 =	vadd.s32 v1, v3  }
0x70: {  	[hbm4b:s2+s3] =	stream.indirect_vreg.scatter [tilespmem:s10], [sflag:$0x5], $0x80, v4, vm0, $0xb8;
	[tilespmem:$0x18800] =	vst v63  }
0x71: {  	s18 =	simm.s32 $0x9000  }
0x72: {  	[hbm4b:s5+s3] =	stream.indirect_vreg.scatter [tilespmem:s18], [sflag:$0x5], $0x80, v4, vm0, $0xb8;
	[tilespmem:$0x18800] =	vst v63  }
0x73: {  	s19 =	simm.s32 $0x9800  }
0x74: {  	[hbm4b:s2+s3] =	stream.indirect_vreg.scatter [tilespmem:s19], [sflag:$0x5], $0x80, v3, vm0, $0xb8;
	[tilespmem:$0x18800] =	vst v63  }
0x75: {  	s20 =	simm.s32 $0xA000  }
0x76: {  	[hbm4b:s5+s3] =	stream.indirect_vreg.scatter [tilespmem:s20], [sflag:$0x5], $0x80, v3, vm0, $0xb8;
	[tilespmem:$0x18800] =	vst v63  }
0x77: {  	v3 =	vld [tilespmem:$0x90];
	_ =	sdelay $0x4  }
0x78: {  	v61 =	vshll.u32 v3, $0x2  }
0x79: {  	v3 =	vand.u32 $0x7, v3;
	v4 =	vand.u32 $0xFFFFFFE0, v61  }
0x7a: {  	v3 =	vor.u32 v3, v4  }
0x7b: {  	v4 =	vperm.xlane v3, v0;
	_ =	sdelay $0x1  }
0x7c: {  	v4 =	vadd.s32 v1, v4;
	_ =	sdelay $0x1  }
0x7d: {  	v3 =	vperm.xlane v3, v2;
	_ =	sdelay $0x1  }
0x7e: {  	s25 =	simm.s32 $0xA800;
	v3 =	vadd.s32 v1, v3  }
0x7f: {  	[hbm4b:s2+s3] =	stream.indirect_vreg.scatter [tilespmem:s25], [sflag:$0x5], $0x80, v4, vm0, $0xb8;
	[tilespmem:$0x18800] =	vst v63  }
0x80: {  	s13 =	simm.s32 $0xB000  }
0x81: {  	[hbm4b:s5+s3] =	stream.indirect_vreg.scatter [tilespmem:s13], [sflag:$0x5], $0x80, v4, vm0, $0xb8;
	[tilespmem:$0x18800] =	vst v63  }
0x82: {  	s14 =	simm.s32 $0xB800  }
0x83: {  	[hbm4b:s2+s3] =	stream.indirect_vreg.scatter [tilespmem:s14], [sflag:$0x5], $0x80, v3, vm0, $0xb8;
	[tilespmem:$0x18800] =	vst v63  }
0x84: {  	s15 =	simm.s32 $0xC000  }
0x85: {  	[hbm4b:s5+s3] =	stream.indirect_vreg.scatter [tilespmem:s15], [sflag:$0x5], $0x80, v3, vm0, $0xb8;
	[tilespmem:$0x18800] =	vst v63  }
0x86: {  	v3 =	vld [tilespmem:$0xA0];
	_ =	sdelay $0x4  }
0x87: {  	v62 =	vshll.u32 v3, $0x2  }
0x88: {  	v3 =	vand.u32 $0x7, v3;
	v4 =	vand.u32 $0xFFFFFFE0, v62  }
0x89: {  	v3 =	vor.u32 v3, v4  }
0x8a: {  	v4 =	vperm.xlane v3, v0;
	_ =	sdelay $0x1  }
0x8b: {  	v4 =	vadd.s32 v1, v4;
	_ =	sdelay $0x1  }
0x8c: {  	v3 =	vperm.xlane v3, v2;
	_ =	sdelay $0x1  }
0x8d: {  	s16 =	simm.s32 $0xC800;
	v3 =	vadd.s32 v1, v3  }
0x8e: {  	[hbm4b:s2+s3] =	stream.indirect_vreg.scatter [tilespmem:s16], [sflag:$0x5], $0x80, v4, vm0, $0xb8;
	[tilespmem:$0x18800] =	vst v63  }
0x8f: {  	s17 =	simm.s32 $0xD000  }
0x90: {  	[hbm4b:s5+s3] =	stream.indirect_vreg.scatter [tilespmem:s17], [sflag:$0x5], $0x80, v4, vm0, $0xb8;
	[tilespmem:$0x18800] =	vst v63  }
0x91: {  	s18 =	simm.s32 $0xD800  }
0x92: {  	[hbm4b:s2+s3] =	stream.indirect_vreg.scatter [tilespmem:s18], [sflag:$0x5], $0x80, v3, vm0, $0xb8;
	[tilespmem:$0x18800] =	vst v63  }
0x93: {  	s19 =	simm.s32 $0xE000  }
0x94: {  	[hbm4b:s5+s3] =	stream.indirect_vreg.scatter [tilespmem:s19], [sflag:$0x5], $0x80, v3, vm0, $0xb8;
	[tilespmem:$0x18800] =	vst v63  }
0x95: {  	v3 =	vld [tilespmem:$0xB0];
	_ =	sdelay $0x4  }
0x96: {  	v63 =	vshll.u32 v3, $0x2  }
0x97: {  	v3 =	vand.u32 $0x7, v3;
	v4 =	vand.u32 $0xFFFFFFE0, v63  }
0x98: {  	v3 =	vor.u32 v3, v4  }
0x99: {  	v4 =	vperm.xlane v3, v0;
	_ =	sdelay $0x1  }
0x9a: {  	v4 =	vadd.s32 v1, v4;
	_ =	sdelay $0x1  }
0x9b: {  	v3 =	vperm.xlane v3, v2;
	_ =	sdelay $0x1  }
0x9c: {  	s20 =	simm.s32 $0xE800;
	v3 =	vadd.s32 v1, v3  }
0x9d: {  	[hbm4b:s2+s3] =	stream.indirect_vreg.scatter [tilespmem:s20], [sflag:$0x5], $0x80, v4, vm0, $0xb8;
	[tilespmem:$0x18800] =	vst v63  }
0x9e: {  	s25 =	simm.s32 $0xF000  }
0x9f: {  	[hbm4b:s5+s3] =	stream.indirect_vreg.scatter [tilespmem:s25], [sflag:$0x5], $0x80, v4, vm0, $0xb8;
	[tilespmem:$0x18800] =	vst v63  }
0xa0: {  	s15 =	simm.s32 $0xF800  }
0xa1: {  	[hbm4b:s2+s3] =	stream.indirect_vreg.scatter [tilespmem:s15], [sflag:$0x5], $0x80, v3, vm0, $0xb8;
	[tilespmem:$0x18800] =	vst v63  }
0xa2: {  	s16 =	simm.s32 $0x10000  }
0xa3: {  	[hbm4b:s5+s3] =	stream.indirect_vreg.scatter [tilespmem:s16], [sflag:$0x5], $0x80, v3, vm0, $0xb8;
	[tilespmem:$0x18800] =	vst v63  }
0xa4: {  	_ =	swait.ge [sflag:s0], $0x8000  }
0xa5: {  	[sflag:s0] =	ssyncset.done $0x0  }
0xa6: {  	s17 =	rddreg [dreg:$0x8];
	[sflag:s0] =	ssyncadd.s32 $0xFFFF8000  }
0xa7: {  	[tilespmem:s10], [sflag:$0x2] =	stream.linear.gather [hbm4b:s17+s3], $0x8000, $0x38;
	[tilespmem:$0x18800] =	vst v63  }
0xa8: {  	_ =	swait.ge [sflag:s4], $0x8000  }
0xa9: {  	[sflag:s4] =	ssyncset.done $0x0  }
0xaa: {  	[sflag:s4] =	ssyncadd.s32 $0xFFFF8000  }
0xab: {  	v3 =	vld [tilespmem:$0x100];
	_ =	sdelay $0x4  }
0xac: {  	v8 =	vshll.u32 v3, $0x2  }
0xad: {  	v3 =	vand.u32 $0x7, v3;
	v4 =	vand.u32 $0xFFFFFFE0, v8  }
0xae: {  	v3 =	vor.u32 v3, v4  }
0xaf: {  	v4 =	vperm.xlane v3, v0;
	_ =	sdelay $0x1  }
0xb0: {  	v4 =	vadd.s32 v1, v4;
	_ =	sdelay $0x1  }
0xb1: {  	v3 =	vperm.xlane v3, v2;
	_ =	sdelay $0x1  }
0xb2: {  	v3 =	vadd.s32 v1, v3  }
0xb3: {  	[hbm4b:s2+s3] =	stream.indirect_vreg.scatter [tilespmem:s7], [sflag:$0x6], $0x80, v4, vm0, $0xb8;
	[tilespmem:$0x18800] =	vst v63  }
0xb4: {  	s18 =	simm.s32 $0x11000  }
0xb5: {  	[hbm4b:s5+s3] =	stream.indirect_vreg.scatter [tilespmem:s18], [sflag:$0x6], $0x80, v4, vm0, $0xb8;
	[tilespmem:$0x18800] =	vst v63  }
0xb6: {  	s19 =	simm.s32 $0x11800  }
0xb7: {  	[hbm4b:s2+s3] =	stream.indirect_vreg.scatter [tilespmem:s19], [sflag:$0x6], $0x80, v3, vm0, $0xb8;
	[tilespmem:$0x18800] =	vst v63  }
0xb8: {  	s20 =	simm.s32 $0x12000  }
0xb9: {  	[hbm4b:s5+s3] =	stream.indirect_vreg.scatter [tilespmem:s20], [sflag:$0x6], $0x80, v3, vm0, $0xb8;
	[tilespmem:$0x18800] =	vst v63  }
0xba: {  	v3 =	vld [tilespmem:$0x110];
	_ =	sdelay $0x4  }
0xbb: {  	v9 =	vshll.u32 v3, $0x2  }
0xbc: {  	v3 =	vand.u32 $0x7, v3;
	v4 =	vand.u32 $0xFFFFFFE0, v9  }
0xbd: {  	v3 =	vor.u32 v3, v4  }
0xbe: {  	v4 =	vperm.xlane v3, v0;
	_ =	sdelay $0x1  }
0xbf: {  	v4 =	vadd.s32 v1, v4;
	_ =	sdelay $0x1  }
0xc0: {  	v3 =	vperm.xlane v3, v2;
	_ =	sdelay $0x1  }
0xc1: {  	s25 =	simm.s32 $0x12800;
	v3 =	vadd.s32 v1, v3  }
0xc2: {  	[hbm4b:s2+s3] =	stream.indirect_vreg.scatter [tilespmem:s25], [sflag:$0x6], $0x80, v4, vm0, $0xb8;
	[tilespmem:$0x18800] =	vst v63  }
0xc3: {  	s17 =	simm.s32 $0x13000  }
0xc4: {  	[hbm4b:s5+s3] =	stream.indirect_vreg.scatter [tilespmem:s17], [sflag:$0x6], $0x80, v4, vm0, $0xb8;
	[tilespmem:$0x18800] =	vst v63  }
0xc5: {  	s18 =	simm.s32 $0x13800  }
0xc6: {  	[hbm4b:s2+s3] =	stream.indirect_vreg.scatter [tilespmem:s18], [sflag:$0x6], $0x80, v3, vm0, $0xb8;
	[tilespmem:$0x18800] =	vst v63  }
0xc7: {  	s19 =	simm.s32 $0x14000  }
0xc8: {  	[hbm4b:s5+s3] =	stream.indirect_vreg.scatter [tilespmem:s19], [sflag:$0x6], $0x80, v3, vm0, $0xb8;
	[tilespmem:$0x18800] =	vst v63  }
0xc9: {  	v3 =	vld [tilespmem:$0x120];
	_ =	sdelay $0x4  }
0xca: {  	v10 =	vshll.u32 v3, $0x2  }
0xcb: {  	v3 =	vand.u32 $0x7, v3;
	v4 =	vand.u32 $0xFFFFFFE0, v10  }
0xcc: {  	v3 =	vor.u32 v3, v4  }
0xcd: {  	v4 =	vperm.xlane v3, v0;
	_ =	sdelay $0x1  }
0xce: {  	v4 =	vadd.s32 v1, v4;
	_ =	sdelay $0x1  }
0xcf: {  	v3 =	vperm.xlane v3, v2;
	_ =	sdelay $0x1  }
0xd0: {  	s20 =	simm.s32 $0x14800;
	v3 =	vadd.s32 v1, v3  }
0xd1: {  	[hbm4b:s2+s3] =	stream.indirect_vreg.scatter [tilespmem:s20], [sflag:$0x6], $0x80, v4, vm0, $0xb8;
	[tilespmem:$0x18800] =	vst v63  }
0xd2: {  	s25 =	simm.s32 $0x15000  }
0xd3: {  	[hbm4b:s5+s3] =	stream.indirect_vreg.scatter [tilespmem:s25], [sflag:$0x6], $0x80, v4, vm0, $0xb8;
	[tilespmem:$0x18800] =	vst v63  }
0xd4: {  	s18 =	simm.s32 $0x15800  }
0xd5: {  	[hbm4b:s2+s3] =	stream.indirect_vreg.scatter [tilespmem:s18], [sflag:$0x6], $0x80, v3, vm0, $0xb8;
	[tilespmem:$0x18800] =	vst v63  }
0xd6: {  	s19 =	simm.s32 $0x16000  }
0xd7: {  	[hbm4b:s5+s3] =	stream.indirect_vreg.scatter [tilespmem:s19], [sflag:$0x6], $0x80, v3, vm0, $0xb8;
	[tilespmem:$0x18800] =	vst v63  }
0xd8: {  	v3 =	vld [tilespmem:$0x130];
	_ =	sdelay $0x4  }
0xd9: {  	v11 =	vshll.u32 v3, $0x2  }
0xda: {  	v3 =	vand.u32 $0x7, v3;
	v4 =	vand.u32 $0xFFFFFFE0, v11  }
0xdb: {  	v3 =	vor.u32 v3, v4  }
0xdc: {  	v4 =	vperm.xlane v3, v0;
	_ =	sdelay $0x1  }
0xdd: {  	v4 =	vadd.s32 v1, v4;
	_ =	sdelay $0x1  }
0xde: {  	v3 =	vperm.xlane v3, v2;
	_ =	sdelay $0x1  }
0xdf: {  	s20 =	simm.s32 $0x16800;
	v3 =	vadd.s32 v1, v3  }
0xe0: {  	[hbm4b:s2+s3] =	stream.indirect_vreg.scatter [tilespmem:s20], [sflag:$0x6], $0x80, v4, vm0, $0xb8;
	[tilespmem:$0x18800] =	vst v63  }
0xe1: {  	s25 =	simm.s32 $0x17000  }
0xe2: {  	[hbm4b:s5+s3] =	stream.indirect_vreg.scatter [tilespmem:s25], [sflag:$0x6], $0x80, v4, vm0, $0xb8;
	[tilespmem:$0x18800] =	vst v63  }
0xe3: {  	s19 =	simm.s32 $0x17800  }
0xe4: {  	[hbm4b:s2+s3] =	stream.indirect_vreg.scatter [tilespmem:s19], [sflag:$0x6], $0x80, v3, vm0, $0xb8;
	[tilespmem:$0x18800] =	vst v63  }
0xe5: {  	s20 =	simm.s32 $0x18000  }
0xe6: {  	[hbm4b:s5+s3] =	stream.indirect_vreg.scatter [tilespmem:s20], [sflag:$0x6], $0x80, v3, vm0, $0xb8;
	[tilespmem:$0x18800] =	vst v63  }
0xe7: {  	_ =	swait.ge [sflag:s1], $0x8000  }
0xe8: {  	[sflag:s1] =	ssyncset.done $0x0  }
0xe9: {  	s25 =	rddreg [dreg:$0x9];
	[sflag:s1] =	ssyncadd.s32 $0xFFFF8000  }
0xea: {  	[tilespmem:s7], [sflag:$0x3] =	stream.linear.gather [hbm4b:s25+s3], $0x8000, $0x38;
	[tilespmem:$0x18800] =	vst v63  }
0xeb: {  	_ =	swait.ge [sflag:s11], $0x8000  }
0xec: {  	[sflag:s11] =	ssyncset.done $0x0  }
0xed: {  	[sflag:s11] =	ssyncadd.s32 $0xFFFF8000  }
0xee: {  	v3 =	vld [tilespmem:$0x180];
	_ =	sdelay $0x4  }
0xef: {  	v12 =	vshll.u32 v3, $0x2  }
0xf0: {  	v3 =	vand.u32 $0x7, v3;
	v4 =	vand.u32 $0xFFFFFFE0, v12  }
0xf1: {  	v3 =	vor.u32 v3, v4  }
0xf2: {  	v4 =	vperm.xlane v3, v0;
	_ =	sdelay $0x1  }
0xf3: {  	v4 =	vadd.s32 v1, v4;
	_ =	sdelay $0x1  }
0xf4: {  	v3 =	vperm.xlane v3, v2;
	_ =	sdelay $0x1  }
0xf5: {  	v3 =	vadd.s32 v1, v3  }
0xf6: {  	[hbm4b:s2+s3] =	stream.indirect_vreg.scatter [tilespmem:s8], [sflag:$0x4], $0x80, v4, vm0, $0xb8;
	[tilespmem:$0x18800] =	vst v63  }
0xf7: {  	s30 =	simm.s32 $0x1000  }
0xf8: {  	[hbm4b:s5+s3] =	stream.indirect_vreg.scatter [tilespmem:s30], [sflag:$0x4], $0x80, v4, vm0, $0xb8;
	[tilespmem:$0x18800] =	vst v63  }
0xf9: {  	s31 =	simm.s32 $0x1800  }
0xfa: {  	[hbm4b:s2+s3] =	stream.indirect_vreg.scatter [tilespmem:s31], [sflag:$0x4], $0x80, v3, vm0, $0xb8;
	[tilespmem:$0x18800] =	vst v63  }
0xfb: {  	s21 =	simm.s32 $0x2000  }
0xfc: {  	[hbm4b:s5+s3] =	stream.indirect_vreg.scatter [tilespmem:s21], [sflag:$0x4], $0x80, v3, vm0, $0xb8;
	[tilespmem:$0x18800] =	vst v63  }
0xfd: {  	v3 =	vld [tilespmem:$0x190];
	_ =	sdelay $0x4  }
0xfe: {  	v13 =	vshll.u32 v3, $0x2  }
0xff: {  	v3 =	vand.u32 $0x7, v3;
	v4 =	vand.u32 $0xFFFFFFE0, v13  }
0x100: {  	v3 =	vor.u32 v3, v4  }
0x101: {  	v4 =	vperm.xlane v3, v0;
	_ =	sdelay $0x1  }
0x102: {  	v4 =	vadd.s32 v1, v4;
	_ =	sdelay $0x1  }
0x103: {  	v3 =	vperm.xlane v3, v2;
	_ =	sdelay $0x1  }
0x104: {  	s26 =	simm.s32 $0x2800;
	v3 =	vadd.s32 v1, v3  }
0x105: {  	[hbm4b:s2+s3] =	stream.indirect_vreg.scatter [tilespmem:s26], [sflag:$0x4], $0x80, v4, vm0, $0xb8;
	[tilespmem:$0x18800] =	vst v63  }
0x106: {  	s30 =	simm.s32 $0x3000  }
0x107: {  	[hbm4b:s5+s3] =	stream.indirect_vreg.scatter [tilespmem:s30], [sflag:$0x4], $0x80, v4, vm0, $0xb8;
	[tilespmem:$0x18800] =	vst v63  }
0x108: {  	s31 =	simm.s32 $0x3800  }
0x109: {  	[hbm4b:s2+s3] =	stream.indirect_vreg.scatter [tilespmem:s31], [sflag:$0x4], $0x80, v3, vm0, $0xb8;
	[tilespmem:$0x18800] =	vst v63  }
0x10a: {  	s22 =	simm.s32 $0x4000  }
0x10b: {  	[hbm4b:s5+s3] =	stream.indirect_vreg.scatter [tilespmem:s22], [sflag:$0x4], $0x80, v3, vm0, $0xb8;
	[tilespmem:$0x18800] =	vst v63  }
0x10c: {  	v3 =	vld [tilespmem:$0x1A0];
	_ =	sdelay $0x4  }
0x10d: {  	v14 =	vshll.u32 v3, $0x2  }
0x10e: {  	v3 =	vand.u32 $0x7, v3;
	v4 =	vand.u32 $0xFFFFFFE0, v14  }
0x10f: {  	v3 =	vor.u32 v3, v4  }
0x110: {  	v4 =	vperm.xlane v3, v0;
	_ =	sdelay $0x1  }
0x111: {  	v4 =	vadd.s32 v1, v4;
	_ =	sdelay $0x1  }
0x112: {  	v3 =	vperm.xlane v3, v2;
	_ =	sdelay $0x1  }
0x113: {  	s22 =	simm.s32 $0x4800;
	v3 =	vadd.s32 v1, v3  }
0x114: {  	[hbm4b:s2+s3] =	stream.indirect_vreg.scatter [tilespmem:s22], [sflag:$0x4], $0x80, v4, vm0, $0xb8;
	[tilespmem:$0x18800] =	vst v63  }
0x115: {  	s31 =	simm.s32 $0x5000  }
0x116: {  	[hbm4b:s5+s3] =	stream.indirect_vreg.scatter [tilespmem:s31], [sflag:$0x4], $0x80, v4, vm0, $0xb8;
	[tilespmem:$0x18800] =	vst v63  }
0x117: {  	s9 =	simm.s32 $0x5800  }
0x118: {  	[hbm4b:s2+s3] =	stream.indirect_vreg.scatter [tilespmem:s9], [sflag:$0x4], $0x80, v3, vm0, $0xb8;
	[tilespmem:$0x18800] =	vst v63  }
0x119: {  	s23 =	simm.s32 $0x6000  }
0x11a: {  	[hbm4b:s5+s3] =	stream.indirect_vreg.scatter [tilespmem:s23], [sflag:$0x4], $0x80, v3, vm0, $0xb8;
	[tilespmem:$0x18800] =	vst v63  }
0x11b: {  	v3 =	vld [tilespmem:$0x1B0];
	_ =	sdelay $0x4  }
0x11c: {  	v15 =	vshll.u32 v3, $0x2  }
0x11d: {  	v3 =	vand.u32 $0x7, v3;
	v4 =	vand.u32 $0xFFFFFFE0, v15  }
0x11e: {  	v3 =	vor.u32 v3, v4  }
0x11f: {  	v4 =	vperm.xlane v3, v0;
	_ =	sdelay $0x1  }
0x120: {  	v4 =	vadd.s32 v1, v4;
	_ =	sdelay $0x1  }
0x121: {  	v3 =	vperm.xlane v3, v2;
	_ =	sdelay $0x1  }
0x122: {  	s23 =	simm.s32 $0x6800;
	v3 =	vadd.s32 v1, v3  }
0x123: {  	[hbm4b:s2+s3] =	stream.indirect_vreg.scatter [tilespmem:s23], [sflag:$0x4], $0x80, v4, vm0, $0xb8;
	[tilespmem:$0x18800] =	vst v63  }
0x124: {  	s9 =	simm.s32 $0x7000  }
0x125: {  	[hbm4b:s5+s3] =	stream.indirect_vreg.scatter [tilespmem:s9], [sflag:$0x4], $0x80, v4, vm0, $0xb8;
	[tilespmem:$0x18800] =	vst v63  }
0x126: {  	s9 =	simm.s32 $0x7800  }
0x127: {  	[hbm4b:s2+s3] =	stream.indirect_vreg.scatter [tilespmem:s9], [sflag:$0x4], $0x80, v3, vm0, $0xb8;
	[tilespmem:$0x18800] =	vst v63  }
0x128: {  	s24 =	simm.s32 $0x8000  }
0x129: {  	[hbm4b:s5+s3] =	stream.indirect_vreg.scatter [tilespmem:s24], [sflag:$0x4], $0x80, v3, vm0, $0xb8;
	[tilespmem:$0x18800] =	vst v63  }
0x12a: {  	_ =	swait.ge [sflag:s28], $0x8000  }
0x12b: {  	[sflag:s28] =	ssyncset.done $0x0  }
0x12c: {  	s9 =	rddreg [dreg:$0xa];
	[sflag:s28] =	ssyncadd.s32 $0xFFFF8000  }
0x12d: {  	[tilespmem:s8], [sflag:$0x1] =	stream.linear.gather [hbm4b:s9+s3], $0x8000, $0x38;
	[tilespmem:$0x18800] =	vst v63  }
0x12e: {  	_ =	swait.ge [sflag:s29], $0x8000  }
0x12f: {  	[sflag:s29] =	ssyncset.done $0x0  }
0x130: {  	[sflag:s29] =	ssyncadd.s32 $0xFFFF8000  }
0x131: {  	v3 =	vld [tilespmem:$0x200];
	_ =	sdelay $0x4  }
0x132: {  	v16 =	vshll.u32 v3, $0x2  }
0x133: {  	v3 =	vand.u32 $0x7, v3;
	v4 =	vand.u32 $0xFFFFFFE0, v16  }
0x134: {  	v3 =	vor.u32 v3, v4  }
0x135: {  	v4 =	vperm.xlane v3, v0;
	_ =	sdelay $0x1  }
0x136: {  	v4 =	vadd.s32 v1, v4;
	_ =	sdelay $0x1  }
0x137: {  	v3 =	vperm.xlane v3, v2;
	_ =	sdelay $0x1  }
0x138: {  	v3 =	vadd.s32 v1, v3  }
0x139: {  	[hbm4b:s2+s3] =	stream.indirect_vreg.scatter [tilespmem:s10], [sflag:$0x5], $0x80, v4, vm0, $0xb8;
	[tilespmem:$0x18800] =	vst v63  }
0x13a: {  	s9 =	simm.s32 $0x9000  }
0x13b: {  	[hbm4b:s5+s3] =	stream.indirect_vreg.scatter [tilespmem:s9], [sflag:$0x5], $0x80, v4, vm0, $0xb8;
	[tilespmem:$0x18800] =	vst v63  }
0x13c: {  	s9 =	simm.s32 $0x9800  }
0x13d: {  	[hbm4b:s2+s3] =	stream.indirect_vreg.scatter [tilespmem:s9], [sflag:$0x5], $0x80, v3, vm0, $0xb8;
	[tilespmem:$0x18800] =	vst v63  }
0x13e: {  	s12 =	simm.s32 $0xA000  }
0x13f: {  	[hbm4b:s5+s3] =	stream.indirect_vreg.scatter [tilespmem:s12], [sflag:$0x5], $0x80, v3, vm0, $0xb8;
	[tilespmem:$0x18800] =	vst v63  }
0x140: {  	v3 =	vld [tilespmem:$0x210];
	_ =	sdelay $0x4  }
0x141: {  	v17 =	vshll.u32 v3, $0x2  }
0x142: {  	v3 =	vand.u32 $0x7, v3;
	v4 =	vand.u32 $0xFFFFFFE0, v17  }
0x143: {  	v3 =	vor.u32 v3, v4  }
0x144: {  	v4 =	vperm.xlane v3, v0;
	_ =	sdelay $0x1  }
0x145: {  	v4 =	vadd.s32 v1, v4;
	_ =	sdelay $0x1  }
0x146: {  	v3 =	vperm.xlane v3, v2;
	_ =	sdelay $0x1  }
0x147: {  	s12 =	simm.s32 $0xA800;
	v3 =	vadd.s32 v1, v3  }
0x148: {  	[hbm4b:s2+s3] =	stream.indirect_vreg.scatter [tilespmem:s12], [sflag:$0x5], $0x80, v4, vm0, $0xb8;
	[tilespmem:$0x18800] =	vst v63  }
0x149: {  	s9 =	simm.s32 $0xB000  }
0x14a: {  	[hbm4b:s5+s3] =	stream.indirect_vreg.scatter [tilespmem:s9], [sflag:$0x5], $0x80, v4, vm0, $0xb8;
	[tilespmem:$0x18800] =	vst v63  }
0x14b: {  	s9 =	simm.s32 $0xB800  }
0x14c: {  	[hbm4b:s2+s3] =	stream.indirect_vreg.scatter [tilespmem:s9], [sflag:$0x5], $0x80, v3, vm0, $0xb8;
	[tilespmem:$0x18800] =	vst v63  }
0x14d: {  	s13 =	simm.s32 $0xC000  }
0x14e: {  	[hbm4b:s5+s3] =	stream.indirect_vreg.scatter [tilespmem:s13], [sflag:$0x5], $0x80, v3, vm0, $0xb8;
	[tilespmem:$0x18800] =	vst v63  }
0x14f: {  	v3 =	vld [tilespmem:$0x220];
	_ =	sdelay $0x4  }
0x150: {  	v18 =	vshll.u32 v3, $0x2  }
0x151: {  	v3 =	vand.u32 $0x7, v3;
	v4 =	vand.u32 $0xFFFFFFE0, v18  }
0x152: {  	v3 =	vor.u32 v3, v4  }
0x153: {  	v4 =	vperm.xlane v3, v0;
	_ =	sdelay $0x1  }
0x154: {  	v4 =	vadd.s32 v1, v4;
	_ =	sdelay $0x1  }
0x155: {  	v3 =	vperm.xlane v3, v2;
	_ =	sdelay $0x1  }
0x156: {  	s13 =	simm.s32 $0xC800;
	v3 =	vadd.s32 v1, v3  }
0x157: {  	[hbm4b:s2+s3] =	stream.indirect_vreg.scatter [tilespmem:s13], [sflag:$0x5], $0x80, v4, vm0, $0xb8;
	[tilespmem:$0x18800] =	vst v63  }
0x158: {  	s9 =	simm.s32 $0xD000  }
0x159: {  	[hbm4b:s5+s3] =	stream.indirect_vreg.scatter [tilespmem:s9], [sflag:$0x5], $0x80, v4, vm0, $0xb8;
	[tilespmem:$0x18800] =	vst v63  }
0x15a: {  	s9 =	simm.s32 $0xD800  }
0x15b: {  	[hbm4b:s2+s3] =	stream.indirect_vreg.scatter [tilespmem:s9], [sflag:$0x5], $0x80, v3, vm0, $0xb8;
	[tilespmem:$0x18800] =	vst v63  }
0x15c: {  	s14 =	simm.s32 $0xE000  }
0x15d: {  	[hbm4b:s5+s3] =	stream.indirect_vreg.scatter [tilespmem:s14], [sflag:$0x5], $0x80, v3, vm0, $0xb8;
	[tilespmem:$0x18800] =	vst v63  }
0x15e: {  	v3 =	vld [tilespmem:$0x230];
	_ =	sdelay $0x4  }
0x15f: {  	v19 =	vshll.u32 v3, $0x2  }
0x160: {  	v3 =	vand.u32 $0x7, v3;
	v4 =	vand.u32 $0xFFFFFFE0, v19  }
0x161: {  	v3 =	vor.u32 v3, v4  }
0x162: {  	v4 =	vperm.xlane v3, v0;
	_ =	sdelay $0x1  }
0x163: {  	v4 =	vadd.s32 v1, v4;
	_ =	sdelay $0x1  }
0x164: {  	v3 =	vperm.xlane v3, v2;
	_ =	sdelay $0x1  }
0x165: {  	s14 =	simm.s32 $0xE800;
	v3 =	vadd.s32 v1, v3  }
0x166: {  	[hbm4b:s2+s3] =	stream.indirect_vreg.scatter [tilespmem:s14], [sflag:$0x5], $0x80, v4, vm0, $0xb8;
	[tilespmem:$0x18800] =	vst v63  }
0x167: {  	s9 =	simm.s32 $0xF000  }
0x168: {  	[hbm4b:s5+s3] =	stream.indirect_vreg.scatter [tilespmem:s9], [sflag:$0x5], $0x80, v4, vm0, $0xb8;
	[tilespmem:$0x18800] =	vst v63  }
0x169: {  	s9 =	simm.s32 $0xF800  }
0x16a: {  	[hbm4b:s2+s3] =	stream.indirect_vreg.scatter [tilespmem:s9], [sflag:$0x5], $0x80, v3, vm0, $0xb8;
	[tilespmem:$0x18800] =	vst v63  }
0x16b: {  	s15 =	simm.s32 $0x10000  }
0x16c: {  	[hbm4b:s5+s3] =	stream.indirect_vreg.scatter [tilespmem:s15], [sflag:$0x5], $0x80, v3, vm0, $0xb8;
	[tilespmem:$0x18800] =	vst v63  }
0x16d: {  	_ =	swait.ge [sflag:s0], $0x8000  }
0x16e: {  	[sflag:s0] =	ssyncset.done $0x0  }
0x16f: {  	s9 =	rddreg [dreg:$0xb];
	[sflag:s0] =	ssyncadd.s32 $0xFFFF8000  }
0x170: {  	[tilespmem:s10], [sflag:$0x2] =	stream.linear.gather [hbm4b:s9+s3], $0x8000, $0x38;
	[tilespmem:$0x18800] =	vst v63  }
0x171: {  	_ =	swait.ge [sflag:s4], $0x8000  }
0x172: {  	[sflag:s4] =	ssyncset.done $0x0  }
0x173: {  	[sflag:s4] =	ssyncadd.s32 $0xFFFF8000  }
0x174: {  	v3 =	vld [tilespmem:$0x280];
	_ =	sdelay $0x4  }
0x175: {  	v20 =	vshll.u32 v3, $0x2  }
0x176: {  	v3 =	vand.u32 $0x7, v3;
	v4 =	vand.u32 $0xFFFFFFE0, v20  }
0x177: {  	v3 =	vor.u32 v3, v4  }
0x178: {  	v4 =	vperm.xlane v3, v0;
	_ =	sdelay $0x1  }
0x179: {  	v4 =	vadd.s32 v1, v4;
	_ =	sdelay $0x1  }
0x17a: {  	v3 =	vperm.xlane v3, v2;
	_ =	sdelay $0x1  }
0x17b: {  	v3 =	vadd.s32 v1, v3  }
0x17c: {  	[hbm4b:s2+s3] =	stream.indirect_vreg.scatter [tilespmem:s7], [sflag:$0x6], $0x80, v4, vm0, $0xb8;
	[tilespmem:$0x18800] =	vst v63  }
0x17d: {  	s9 =	simm.s32 $0x11000  }
0x17e: {  	[hbm4b:s5+s3] =	stream.indirect_vreg.scatter [tilespmem:s9], [sflag:$0x6], $0x80, v4, vm0, $0xb8;
	[tilespmem:$0x18800] =	vst v63  }
0x17f: {  	s9 =	simm.s32 $0x11800  }
0x180: {  	[hbm4b:s2+s3] =	stream.indirect_vreg.scatter [tilespmem:s9], [sflag:$0x6], $0x80, v3, vm0, $0xb8;
	[tilespmem:$0x18800] =	vst v63  }
0x181: {  	s16 =	simm.s32 $0x12000  }
0x182: {  	[hbm4b:s5+s3] =	stream.indirect_vreg.scatter [tilespmem:s16], [sflag:$0x6], $0x80, v3, vm0, $0xb8;
	[tilespmem:$0x18800] =	vst v63  }
0x183: {  	v3 =	vld [tilespmem:$0x290];
	_ =	sdelay $0x4  }
0x184: {  	v21 =	vshll.u32 v3, $0x2  }
0x185: {  	v3 =	vand.u32 $0x7, v3;
	v4 =	vand.u32 $0xFFFFFFE0, v21  }
0x186: {  	v3 =	vor.u32 v3, v4  }
0x187: {  	v4 =	vperm.xlane v3, v0;
	_ =	sdelay $0x1  }
0x188: {  	v4 =	vadd.s32 v1, v4;
	_ =	sdelay $0x1  }
0x189: {  	v3 =	vperm.xlane v3, v2;
	_ =	sdelay $0x1  }
0x18a: {  	s16 =	simm.s32 $0x12800;
	v3 =	vadd.s32 v1, v3  }
0x18b: {  	[hbm4b:s2+s3] =	stream.indirect_vreg.scatter [tilespmem:s16], [sflag:$0x6], $0x80, v4, vm0, $0xb8;
	[tilespmem:$0x18800] =	vst v63  }
0x18c: {  	s9 =	simm.s32 $0x13000  }
0x18d: {  	[hbm4b:s5+s3] =	stream.indirect_vreg.scatter [tilespmem:s9], [sflag:$0x6], $0x80, v4, vm0, $0xb8;
	[tilespmem:$0x18800] =	vst v63  }
0x18e: {  	s9 =	simm.s32 $0x13800  }
0x18f: {  	[hbm4b:s2+s3] =	stream.indirect_vreg.scatter [tilespmem:s9], [sflag:$0x6], $0x80, v3, vm0, $0xb8;
	[tilespmem:$0x18800] =	vst v63  }
0x190: {  	s17 =	simm.s32 $0x14000  }
0x191: {  	[hbm4b:s5+s3] =	stream.indirect_vreg.scatter [tilespmem:s17], [sflag:$0x6], $0x80, v3, vm0, $0xb8;
	[tilespmem:$0x18800] =	vst v63  }
0x192: {  	v3 =	vld [tilespmem:$0x2A0];
	_ =	sdelay $0x4  }
0x193: {  	v22 =	vshll.u32 v3, $0x2  }
0x194: {  	v3 =	vand.u32 $0x7, v3;
	v4 =	vand.u32 $0xFFFFFFE0, v22  }
0x195: {  	v3 =	vor.u32 v3, v4  }
0x196: {  	v4 =	vperm.xlane v3, v0;
	_ =	sdelay $0x1  }
0x197: {  	v4 =	vadd.s32 v1, v4;
	_ =	sdelay $0x1  }
0x198: {  	v3 =	vperm.xlane v3, v2;
	_ =	sdelay $0x1  }
0x199: {  	s17 =	simm.s32 $0x14800;
	v3 =	vadd.s32 v1, v3  }
0x19a: {  	[hbm4b:s2+s3] =	stream.indirect_vreg.scatter [tilespmem:s17], [sflag:$0x6], $0x80, v4, vm0, $0xb8;
	[tilespmem:$0x18800] =	vst v63  }
0x19b: {  	s9 =	simm.s32 $0x15000  }
0x19c: {  	[hbm4b:s5+s3] =	stream.indirect_vreg.scatter [tilespmem:s9], [sflag:$0x6], $0x80, v4, vm0, $0xb8;
	[tilespmem:$0x18800] =	vst v63  }
0x19d: {  	s9 =	simm.s32 $0x15800  }
0x19e: {  	[hbm4b:s2+s3] =	stream.indirect_vreg.scatter [tilespmem:s9], [sflag:$0x6], $0x80, v3, vm0, $0xb8;
	[tilespmem:$0x18800] =	vst v63  }
0x19f: {  	s18 =	simm.s32 $0x16000  }
0x1a0: {  	[hbm4b:s5+s3] =	stream.indirect_vreg.scatter [tilespmem:s18], [sflag:$0x6], $0x80, v3, vm0, $0xb8;
	[tilespmem:$0x18800] =	vst v63  }
0x1a1: {  	v3 =	vld [tilespmem:$0x2B0];
	_ =	sdelay $0x4  }
0x1a2: {  	v23 =	vshll.u32 v3, $0x2  }
0x1a3: {  	v3 =	vand.u32 $0x7, v3;
	v4 =	vand.u32 $0xFFFFFFE0, v23  }
0x1a4: {  	v3 =	vor.u32 v3, v4  }
0x1a5: {  	v4 =	vperm.xlane v3, v0;
	_ =	sdelay $0x1  }
0x1a6: {  	v4 =	vadd.s32 v1, v4;
	_ =	sdelay $0x1  }
0x1a7: {  	v3 =	vperm.xlane v3, v2;
	_ =	sdelay $0x1  }
0x1a8: {  	s18 =	simm.s32 $0x16800;
	v3 =	vadd.s32 v1, v3  }
0x1a9: {  	[hbm4b:s2+s3] =	stream.indirect_vreg.scatter [tilespmem:s18], [sflag:$0x6], $0x80, v4, vm0, $0xb8;
	[tilespmem:$0x18800] =	vst v63  }
0x1aa: {  	s9 =	simm.s32 $0x17000  }
0x1ab: {  	[hbm4b:s5+s3] =	stream.indirect_vreg.scatter [tilespmem:s9], [sflag:$0x6], $0x80, v4, vm0, $0xb8;
	[tilespmem:$0x18800] =	vst v63  }
0x1ac: {  	s9 =	simm.s32 $0x17800  }
0x1ad: {  	[hbm4b:s2+s3] =	stream.indirect_vreg.scatter [tilespmem:s9], [sflag:$0x6], $0x80, v3, vm0, $0xb8;
	[tilespmem:$0x18800] =	vst v63  }
0x1ae: {  	s19 =	simm.s32 $0x18000  }
0x1af: {  	[hbm4b:s5+s3] =	stream.indirect_vreg.scatter [tilespmem:s19], [sflag:$0x6], $0x80, v3, vm0, $0xb8;
	[tilespmem:$0x18800] =	vst v63  }
0x1b0: {  	_ =	swait.ge [sflag:s1], $0x8000  }
0x1b1: {  	[sflag:s1] =	ssyncset.done $0x0  }
0x1b2: {  	s9 =	rddreg [dreg:$0xc];
	[sflag:s1] =	ssyncadd.s32 $0xFFFF8000  }
0x1b3: {  	[tilespmem:s7], [sflag:$0x3] =	stream.linear.gather [hbm4b:s9+s3], $0x8000, $0x38;
	[tilespmem:$0x18800] =	vst v63  }
0x1b4: {  	_ =	swait.ge [sflag:s11], $0x8000  }
0x1b5: {  	[sflag:s11] =	ssyncset.done $0x0  }
0x1b6: {  	[sflag:s11] =	ssyncadd.s32 $0xFFFF8000  }
0x1b7: {  	v3 =	vld [tilespmem:$0x300];
	_ =	sdelay $0x4  }
0x1b8: {  	v24 =	vshll.u32 v3, $0x2  }
0x1b9: {  	v3 =	vand.u32 $0x7, v3;
	v4 =	vand.u32 $0xFFFFFFE0, v24  }
0x1ba: {  	v3 =	vor.u32 v3, v4  }
0x1bb: {  	v4 =	vperm.xlane v3, v0;
	_ =	sdelay $0x1  }
0x1bc: {  	v4 =	vadd.s32 v1, v4;
	_ =	sdelay $0x1  }
0x1bd: {  	v3 =	vperm.xlane v3, v2;
	_ =	sdelay $0x1  }
0x1be: {  	v3 =	vadd.s32 v1, v3  }
0x1bf: {  	[hbm4b:s2+s3] =	stream.indirect_vreg.scatter [tilespmem:s8], [sflag:$0x4], $0x80, v4, vm0, $0xb8;
	[tilespmem:$0x18800] =	vst v63  }
0x1c0: {  	s20 =	simm.s32 $0x1000  }
0x1c1: {  	[hbm4b:s5+s3] =	stream.indirect_vreg.scatter [tilespmem:s20], [sflag:$0x4], $0x80, v4, vm0, $0xb8;
	[tilespmem:$0x18800] =	vst v63  }
0x1c2: {  	s25 =	simm.s32 $0x1800  }
0x1c3: {  	[hbm4b:s2+s3] =	stream.indirect_vreg.scatter [tilespmem:s25], [sflag:$0x4], $0x80, v3, vm0, $0xb8;
	[tilespmem:$0x18800] =	vst v63  }
0x1c4: {  	s9 =	simm.s32 $0x2000  }
0x1c5: {  	[hbm4b:s5+s3] =	stream.indirect_vreg.scatter [tilespmem:s9], [sflag:$0x4], $0x80, v3, vm0, $0xb8;
	[tilespmem:$0x18800] =	vst v63  }
0x1c6: {  	v3 =	vld [tilespmem:$0x310];
	_ =	sdelay $0x4  }
0x1c7: {  	v25 =	vshll.u32 v3, $0x2  }
0x1c8: {  	v3 =	vand.u32 $0x7, v3;
	v4 =	vand.u32 $0xFFFFFFE0, v25  }
0x1c9: {  	v3 =	vor.u32 v3, v4  }
0x1ca: {  	v4 =	vperm.xlane v3, v0;
	_ =	sdelay $0x1  }
0x1cb: {  	v4 =	vadd.s32 v1, v4;
	_ =	sdelay $0x1  }
0x1cc: {  	v3 =	vperm.xlane v3, v2;
	_ =	sdelay $0x1  }
0x1cd: {  	s21 =	simm.s32 $0x2800;
	v3 =	vadd.s32 v1, v3  }
0x1ce: {  	[hbm4b:s2+s3] =	stream.indirect_vreg.scatter [tilespmem:s21], [sflag:$0x4], $0x80, v4, vm0, $0xb8;
	[tilespmem:$0x18800] =	vst v63  }
0x1cf: {  	s26 =	simm.s32 $0x3000  }
0x1d0: {  	[hbm4b:s5+s3] =	stream.indirect_vreg.scatter [tilespmem:s26], [sflag:$0x4], $0x80, v4, vm0, $0xb8;
	[tilespmem:$0x18800] =	vst v63  }
0x1d1: {  	s30 =	simm.s32 $0x3800  }
0x1d2: {  	[hbm4b:s2+s3] =	stream.indirect_vreg.scatter [tilespmem:s30], [sflag:$0x4], $0x80, v3, vm0, $0xb8;
	[tilespmem:$0x18800] =	vst v63  }
0x1d3: {  	s9 =	simm.s32 $0x4000  }
0x1d4: {  	[hbm4b:s5+s3] =	stream.indirect_vreg.scatter [tilespmem:s9], [sflag:$0x4], $0x80, v3, vm0, $0xb8;
	[tilespmem:$0x18800] =	vst v63  }
0x1d5: {  	v3 =	vld [tilespmem:$0x320];
	_ =	sdelay $0x4  }
0x1d6: {  	v26 =	vshll.u32 v3, $0x2  }
0x1d7: {  	v3 =	vand.u32 $0x7, v3;
	v4 =	vand.u32 $0xFFFFFFE0, v26  }
0x1d8: {  	v3 =	vor.u32 v3, v4  }
0x1d9: {  	v4 =	vperm.xlane v3, v0;
	_ =	sdelay $0x1  }
0x1da: {  	v4 =	vadd.s32 v1, v4;
	_ =	sdelay $0x1  }
0x1db: {  	v3 =	vperm.xlane v3, v2;
	_ =	sdelay $0x1  }
0x1dc: {  	s22 =	simm.s32 $0x4800;
	v3 =	vadd.s32 v1, v3  }
0x1dd: {  	[hbm4b:s2+s3] =	stream.indirect_vreg.scatter [tilespmem:s22], [sflag:$0x4], $0x80, v4, vm0, $0xb8;
	[tilespmem:$0x18800] =	vst v63  }
0x1de: {  	s31 =	simm.s32 $0x5000  }
0x1df: {  	[hbm4b:s5+s3] =	stream.indirect_vreg.scatter [tilespmem:s31], [sflag:$0x4], $0x80, v4, vm0, $0xb8;
	[tilespmem:$0x18800] =	vst v63  }
0x1e0: {  	s9 =	simm.s32 $0x5800  }
0x1e1: {  	[hbm4b:s2+s3] =	stream.indirect_vreg.scatter [tilespmem:s9], [sflag:$0x4], $0x80, v3, vm0, $0xb8;
	[tilespmem:$0x18800] =	vst v63  }
0x1e2: {  	s9 =	simm.s32 $0x6000  }
0x1e3: {  	[hbm4b:s5+s3] =	stream.indirect_vreg.scatter [tilespmem:s9], [sflag:$0x4], $0x80, v3, vm0, $0xb8;
	[tilespmem:$0x18800] =	vst v63  }
0x1e4: {  	v3 =	vld [tilespmem:$0x330];
	_ =	sdelay $0x4  }
0x1e5: {  	v27 =	vshll.u32 v3, $0x2  }
0x1e6: {  	v3 =	vand.u32 $0x7, v3;
	v4 =	vand.u32 $0xFFFFFFE0, v27  }
0x1e7: {  	v3 =	vor.u32 v3, v4  }
0x1e8: {  	v4 =	vperm.xlane v3, v0;
	_ =	sdelay $0x1  }
0x1e9: {  	v4 =	vadd.s32 v1, v4;
	_ =	sdelay $0x1  }
0x1ea: {  	v3 =	vperm.xlane v3, v2;
	_ =	sdelay $0x1  }
0x1eb: {  	s23 =	simm.s32 $0x6800;
	v3 =	vadd.s32 v1, v3  }
0x1ec: {  	[hbm4b:s2+s3] =	stream.indirect_vreg.scatter [tilespmem:s23], [sflag:$0x4], $0x80, v4, vm0, $0xb8;
	[tilespmem:$0x18800] =	vst v63  }
0x1ed: {  	s9 =	simm.s32 $0x7000  }
0x1ee: {  	[hbm4b:s5+s3] =	stream.indirect_vreg.scatter [tilespmem:s9], [sflag:$0x4], $0x80, v4, vm0, $0xb8;
	[tilespmem:$0x18800] =	vst v63  }
0x1ef: {  	s9 =	simm.s32 $0x7800  }
0x1f0: {  	[hbm4b:s2+s3] =	stream.indirect_vreg.scatter [tilespmem:s9], [sflag:$0x4], $0x80, v3, vm0, $0xb8;
	[tilespmem:$0x18800] =	vst v63  }
0x1f1: {  	s24 =	simm.s32 $0x8000  }
0x1f2: {  	[hbm4b:s5+s3] =	stream.indirect_vreg.scatter [tilespmem:s24], [sflag:$0x4], $0x80, v3, vm0, $0xb8;
	[tilespmem:$0x18800] =	vst v63  }
0x1f3: {  	_ =	swait.ge [sflag:s28], $0x8000  }
0x1f4: {  	[sflag:s28] =	ssyncset.done $0x0  }
0x1f5: {  	s9 =	rddreg [dreg:$0xd];
	[sflag:s28] =	ssyncadd.s32 $0xFFFF8000  }
0x1f6: {  	[tilespmem:s8], [sflag:$0x1] =	stream.linear.gather [hbm4b:s9+s3], $0x8000, $0x38;
	[tilespmem:$0x18800] =	vst v63  }
0x1f7: {  	_ =	swait.ge [sflag:s29], $0x8000  }
0x1f8: {  	[sflag:s29] =	ssyncset.done $0x0  }
0x1f9: {  	[sflag:s29] =	ssyncadd.s32 $0xFFFF8000  }
0x1fa: {  	v3 =	vld [tilespmem:$0x380];
	_ =	sdelay $0x4  }
0x1fb: {  	v28 =	vshll.u32 v3, $0x2  }
0x1fc: {  	v3 =	vand.u32 $0x7, v3;
	v4 =	vand.u32 $0xFFFFFFE0, v28  }
0x1fd: {  	v3 =	vor.u32 v3, v4  }
0x1fe: {  	v4 =	vperm.xlane v3, v0;
	_ =	sdelay $0x1  }
0x1ff: {  	v4 =	vadd.s32 v1, v4;
	_ =	sdelay $0x1  }
0x200: {  	v3 =	vperm.xlane v3, v2;
	_ =	sdelay $0x1  }
0x201: {  	v3 =	vadd.s32 v1, v3  }
0x202: {  	[hbm4b:s2+s3] =	stream.indirect_vreg.scatter [tilespmem:s10], [sflag:$0x5], $0x80, v4, vm0, $0xb8;
	[tilespmem:$0x18800] =	vst v63  }
0x203: {  	s9 =	simm.s32 $0x9000  }
0x204: {  	[hbm4b:s5+s3] =	stream.indirect_vreg.scatter [tilespmem:s9], [sflag:$0x5], $0x80, v4, vm0, $0xb8;
	[tilespmem:$0x18800] =	vst v63  }
0x205: {  	s9 =	simm.s32 $0x9800  }
0x206: {  	[hbm4b:s2+s3] =	stream.indirect_vreg.scatter [tilespmem:s9], [sflag:$0x5], $0x80, v3, vm0, $0xb8;
	[tilespmem:$0x18800] =	vst v63  }
0x207: {  	s9 =	simm.s32 $0xA000  }
0x208: {  	[hbm4b:s5+s3] =	stream.indirect_vreg.scatter [tilespmem:s9], [sflag:$0x5], $0x80, v3, vm0, $0xb8;
	[tilespmem:$0x18800] =	vst v63  }
0x209: {  	v3 =	vld [tilespmem:$0x390];
	_ =	sdelay $0x4  }
0x20a: {  	v29 =	vshll.u32 v3, $0x2  }
0x20b: {  	v3 =	vand.u32 $0x7, v3;
	v4 =	vand.u32 $0xFFFFFFE0, v29  }
0x20c: {  	v3 =	vor.u32 v3, v4  }
0x20d: {  	v4 =	vperm.xlane v3, v0;
	_ =	sdelay $0x1  }
0x20e: {  	v4 =	vadd.s32 v1, v4;
	_ =	sdelay $0x1  }
0x20f: {  	v3 =	vperm.xlane v3, v2;
	_ =	sdelay $0x1  }
0x210: {  	s12 =	simm.s32 $0xA800;
	v3 =	vadd.s32 v1, v3  }
0x211: {  	[hbm4b:s2+s3] =	stream.indirect_vreg.scatter [tilespmem:s12], [sflag:$0x5], $0x80, v4, vm0, $0xb8;
	[tilespmem:$0x18800] =	vst v63  }
0x212: {  	s12 =	simm.s32 $0xB000  }
0x213: {  	[hbm4b:s5+s3] =	stream.indirect_vreg.scatter [tilespmem:s12], [sflag:$0x5], $0x80, v4, vm0, $0xb8;
	[tilespmem:$0x18800] =	vst v63  }
0x214: {  	s12 =	simm.s32 $0xB800  }
0x215: {  	[hbm4b:s2+s3] =	stream.indirect_vreg.scatter [tilespmem:s12], [sflag:$0x5], $0x80, v3, vm0, $0xb8;
	[tilespmem:$0x18800] =	vst v63  }
0x216: {  	s12 =	simm.s32 $0xC000  }
0x217: {  	[hbm4b:s5+s3] =	stream.indirect_vreg.scatter [tilespmem:s12], [sflag:$0x5], $0x80, v3, vm0, $0xb8;
	[tilespmem:$0x18800] =	vst v63  }
0x218: {  	v3 =	vld [tilespmem:$0x3A0];
	_ =	sdelay $0x4  }
0x219: {  	v30 =	vshll.u32 v3, $0x2  }
0x21a: {  	v3 =	vand.u32 $0x7, v3;
	v4 =	vand.u32 $0xFFFFFFE0, v30  }
0x21b: {  	v3 =	vor.u32 v3, v4  }
0x21c: {  	v4 =	vperm.xlane v3, v0;
	_ =	sdelay $0x1  }
0x21d: {  	v4 =	vadd.s32 v1, v4;
	_ =	sdelay $0x1  }
0x21e: {  	v3 =	vperm.xlane v3, v2;
	_ =	sdelay $0x1  }
0x21f: {  	s13 =	simm.s32 $0xC800;
	v3 =	vadd.s32 v1, v3  }
0x220: {  	[hbm4b:s2+s3] =	stream.indirect_vreg.scatter [tilespmem:s13], [sflag:$0x5], $0x80, v4, vm0, $0xb8;
	[tilespmem:$0x18800] =	vst v63  }
0x221: {  	s12 =	simm.s32 $0xD000  }
0x222: {  	[hbm4b:s5+s3] =	stream.indirect_vreg.scatter [tilespmem:s12], [sflag:$0x5], $0x80, v4, vm0, $0xb8;
	[tilespmem:$0x18800] =	vst v63  }
0x223: {  	s13 =	simm.s32 $0xD800  }
0x224: {  	[hbm4b:s2+s3] =	stream.indirect_vreg.scatter [tilespmem:s13], [sflag:$0x5], $0x80, v3, vm0, $0xb8;
	[tilespmem:$0x18800] =	vst v63  }
0x225: {  	s12 =	simm.s32 $0xE000  }
0x226: {  	[hbm4b:s5+s3] =	stream.indirect_vreg.scatter [tilespmem:s12], [sflag:$0x5], $0x80, v3, vm0, $0xb8;
	[tilespmem:$0x18800] =	vst v63  }
0x227: {  	v3 =	vld [tilespmem:$0x3B0];
	_ =	sdelay $0x4  }
0x228: {  	v31 =	vshll.u32 v3, $0x2  }
0x229: {  	v3 =	vand.u32 $0x7, v3;
	v4 =	vand.u32 $0xFFFFFFE0, v31  }
0x22a: {  	v3 =	vor.u32 v3, v4  }
0x22b: {  	v4 =	vperm.xlane v3, v0;
	_ =	sdelay $0x1  }
0x22c: {  	v4 =	vadd.s32 v1, v4;
	_ =	sdelay $0x1  }
0x22d: {  	v3 =	vperm.xlane v3, v2;
	_ =	sdelay $0x1  }
0x22e: {  	s14 =	simm.s32 $0xE800;
	v3 =	vadd.s32 v1, v3  }
0x22f: {  	[hbm4b:s2+s3] =	stream.indirect_vreg.scatter [tilespmem:s14], [sflag:$0x5], $0x80, v4, vm0, $0xb8;
	[tilespmem:$0x18800] =	vst v63  }
0x230: {  	s13 =	simm.s32 $0xF000  }
0x231: {  	[hbm4b:s5+s3] =	stream.indirect_vreg.scatter [tilespmem:s13], [sflag:$0x5], $0x80, v4, vm0, $0xb8;
	[tilespmem:$0x18800] =	vst v63  }
0x232: {  	s14 =	simm.s32 $0xF800  }
0x233: {  	[hbm4b:s2+s3] =	stream.indirect_vreg.scatter [tilespmem:s14], [sflag:$0x5], $0x80, v3, vm0, $0xb8;
	[tilespmem:$0x18800] =	vst v63  }
0x234: {  	s15 =	simm.s32 $0x10000  }
0x235: {  	[hbm4b:s5+s3] =	stream.indirect_vreg.scatter [tilespmem:s15], [sflag:$0x5], $0x80, v3, vm0, $0xb8;
	[tilespmem:$0x18800] =	vst v63  }
0x236: {  	_ =	swait.ge [sflag:s0], $0x8000  }
0x237: {  	[sflag:s0] =	ssyncset.done $0x0  }
0x238: {  	s15 =	rddreg [dreg:$0xe];
	[sflag:s0] =	ssyncadd.s32 $0xFFFF8000  }
0x239: {  	[tilespmem:s10], [sflag:$0x2] =	stream.linear.gather [hbm4b:s15+s3], $0x8000, $0x38;
	[tilespmem:$0x18800] =	vst v63  }
0x23a: {  	_ =	swait.ge [sflag:s4], $0x8000  }
0x23b: {  	[sflag:s4] =	ssyncset.done $0x0  }
0x23c: {  	[sflag:s4] =	ssyncadd.s32 $0xFFFF8000  }
0x23d: {  	v3 =	vld [tilespmem:$0x400];
	_ =	sdelay $0x4  }
0x23e: {  	v32 =	vshll.u32 v3, $0x2  }
0x23f: {  	v3 =	vand.u32 $0x7, v3;
	v4 =	vand.u32 $0xFFFFFFE0, v32  }
0x240: {  	v3 =	vor.u32 v3, v4  }
0x241: {  	v4 =	vperm.xlane v3, v0;
	_ =	sdelay $0x1  }
0x242: {  	v4 =	vadd.s32 v1, v4;
	_ =	sdelay $0x1  }
0x243: {  	v3 =	vperm.xlane v3, v2;
	_ =	sdelay $0x1  }
0x244: {  	v3 =	vadd.s32 v1, v3  }
0x245: {  	[hbm4b:s2+s3] =	stream.indirect_vreg.scatter [tilespmem:s7], [sflag:$0x6], $0x80, v4, vm0, $0xb8;
	[tilespmem:$0x18800] =	vst v63  }
0x246: {  	s12 =	simm.s32 $0x11000  }
0x247: {  	[hbm4b:s5+s3] =	stream.indirect_vreg.scatter [tilespmem:s12], [sflag:$0x6], $0x80, v4, vm0, $0xb8;
	[tilespmem:$0x18800] =	vst v63  }
0x248: {  	s13 =	simm.s32 $0x11800  }
0x249: {  	[hbm4b:s2+s3] =	stream.indirect_vreg.scatter [tilespmem:s13], [sflag:$0x6], $0x80, v3, vm0, $0xb8;
	[tilespmem:$0x18800] =	vst v63  }
0x24a: {  	s14 =	simm.s32 $0x12000  }
0x24b: {  	[hbm4b:s5+s3] =	stream.indirect_vreg.scatter [tilespmem:s14], [sflag:$0x6], $0x80, v3, vm0, $0xb8;
	[tilespmem:$0x18800] =	vst v63  }
0x24c: {  	v3 =	vld [tilespmem:$0x410];
	_ =	sdelay $0x4  }
0x24d: {  	v33 =	vshll.u32 v3, $0x2  }
0x24e: {  	v3 =	vand.u32 $0x7, v3;
	v4 =	vand.u32 $0xFFFFFFE0, v33  }
0x24f: {  	v3 =	vor.u32 v3, v4  }
0x250: {  	v4 =	vperm.xlane v3, v0;
	_ =	sdelay $0x1  }
0x251: {  	v4 =	vadd.s32 v1, v4;
	_ =	sdelay $0x1  }
0x252: {  	v3 =	vperm.xlane v3, v2;
	_ =	sdelay $0x1  }
0x253: {  	s16 =	simm.s32 $0x12800;
	v3 =	vadd.s32 v1, v3  }
0x254: {  	[hbm4b:s2+s3] =	stream.indirect_vreg.scatter [tilespmem:s16], [sflag:$0x6], $0x80, v4, vm0, $0xb8;
	[tilespmem:$0x18800] =	vst v63  }
0x255: {  	s15 =	simm.s32 $0x13000  }
0x256: {  	[hbm4b:s5+s3] =	stream.indirect_vreg.scatter [tilespmem:s15], [sflag:$0x6], $0x80, v4, vm0, $0xb8;
	[tilespmem:$0x18800] =	vst v63  }
0x257: {  	s16 =	simm.s32 $0x13800  }
0x258: {  	[hbm4b:s2+s3] =	stream.indirect_vreg.scatter [tilespmem:s16], [sflag:$0x6], $0x80, v3, vm0, $0xb8;
	[tilespmem:$0x18800] =	vst v63  }
0x259: {  	s12 =	simm.s32 $0x14000  }
0x25a: {  	[hbm4b:s5+s3] =	stream.indirect_vreg.scatter [tilespmem:s12], [sflag:$0x6], $0x80, v3, vm0, $0xb8;
	[tilespmem:$0x18800] =	vst v63  }
0x25b: {  	v3 =	vld [tilespmem:$0x420];
	_ =	sdelay $0x4  }
0x25c: {  	v34 =	vshll.u32 v3, $0x2  }
0x25d: {  	v3 =	vand.u32 $0x7, v3;
	v4 =	vand.u32 $0xFFFFFFE0, v34  }
0x25e: {  	v3 =	vor.u32 v3, v4  }
0x25f: {  	v4 =	vperm.xlane v3, v0;
	_ =	sdelay $0x1  }
0x260: {  	v4 =	vadd.s32 v1, v4;
	_ =	sdelay $0x1  }
0x261: {  	v3 =	vperm.xlane v3, v2;
	_ =	sdelay $0x1  }
0x262: {  	s17 =	simm.s32 $0x14800;
	v3 =	vadd.s32 v1, v3  }
0x263: {  	[hbm4b:s2+s3] =	stream.indirect_vreg.scatter [tilespmem:s17], [sflag:$0x6], $0x80, v4, vm0, $0xb8;
	[tilespmem:$0x18800] =	vst v63  }
0x264: {  	s13 =	simm.s32 $0x15000  }
0x265: {  	[hbm4b:s5+s3] =	stream.indirect_vreg.scatter [tilespmem:s13], [sflag:$0x6], $0x80, v4, vm0, $0xb8;
	[tilespmem:$0x18800] =	vst v63  }
0x266: {  	s15 =	simm.s32 $0x15800  }
0x267: {  	[hbm4b:s2+s3] =	stream.indirect_vreg.scatter [tilespmem:s15], [sflag:$0x6], $0x80, v3, vm0, $0xb8;
	[tilespmem:$0x18800] =	vst v63  }
0x268: {  	s16 =	simm.s32 $0x16000  }
0x269: {  	[hbm4b:s5+s3] =	stream.indirect_vreg.scatter [tilespmem:s16], [sflag:$0x6], $0x80, v3, vm0, $0xb8;
	[tilespmem:$0x18800] =	vst v63  }
0x26a: {  	v3 =	vld [tilespmem:$0x430];
	_ =	sdelay $0x4  }
0x26b: {  	v35 =	vshll.u32 v3, $0x2  }
0x26c: {  	v3 =	vand.u32 $0x7, v3;
	v4 =	vand.u32 $0xFFFFFFE0, v35  }
0x26d: {  	v3 =	vor.u32 v3, v4  }
0x26e: {  	v4 =	vperm.xlane v3, v0;
	_ =	sdelay $0x1  }
0x26f: {  	v4 =	vadd.s32 v1, v4;
	_ =	sdelay $0x1  }
0x270: {  	v3 =	vperm.xlane v3, v2;
	_ =	sdelay $0x1  }
0x271: {  	s18 =	simm.s32 $0x16800;
	v3 =	vadd.s32 v1, v3  }
0x272: {  	[hbm4b:s2+s3] =	stream.indirect_vreg.scatter [tilespmem:s18], [sflag:$0x6], $0x80, v4, vm0, $0xb8;
	[tilespmem:$0x18800] =	vst v63  }
0x273: {  	s17 =	simm.s32 $0x17000  }
0x274: {  	[hbm4b:s5+s3] =	stream.indirect_vreg.scatter [tilespmem:s17], [sflag:$0x6], $0x80, v4, vm0, $0xb8;
	[tilespmem:$0x18800] =	vst v63  }
0x275: {  	s18 =	simm.s32 $0x17800  }
0x276: {  	[hbm4b:s2+s3] =	stream.indirect_vreg.scatter [tilespmem:s18], [sflag:$0x6], $0x80, v3, vm0, $0xb8;
	[tilespmem:$0x18800] =	vst v63  }
0x277: {  	s19 =	simm.s32 $0x18000  }
0x278: {  	[hbm4b:s5+s3] =	stream.indirect_vreg.scatter [tilespmem:s19], [sflag:$0x6], $0x80, v3, vm0, $0xb8;
	[tilespmem:$0x18800] =	vst v63  }
0x279: {  	_ =	swait.ge [sflag:s1], $0x8000  }
0x27a: {  	[sflag:s1] =	ssyncset.done $0x0  }
0x27b: {  	s19 =	rddreg [dreg:$0xf];
	[sflag:s1] =	ssyncadd.s32 $0xFFFF8000  }
0x27c: {  	[tilespmem:s7], [sflag:$0x3] =	stream.linear.gather [hbm4b:s19+s3], $0x8000, $0x38;
	[tilespmem:$0x18800] =	vst v63  }
0x27d: {  	_ =	swait.ge [sflag:s11], $0x8000  }
0x27e: {  	[sflag:s11] =	ssyncset.done $0x0  }
0x27f: {  	[sflag:s11] =	ssyncadd.s32 $0xFFFF8000  }
0x280: {  	v3 =	vld [tilespmem:$0x480];
	_ =	sdelay $0x4  }
0x281: {  	v36 =	vshll.u32 v3, $0x2  }
0x282: {  	v3 =	vand.u32 $0x7, v3;
	v4 =	vand.u32 $0xFFFFFFE0, v36  }
0x283: {  	v3 =	vor.u32 v3, v4  }
0x284: {  	v4 =	vperm.xlane v3, v0;
	_ =	sdelay $0x1  }
0x285: {  	v4 =	vadd.s32 v1, v4;
	_ =	sdelay $0x1  }
0x286: {  	v3 =	vperm.xlane v3, v2;
	_ =	sdelay $0x1  }
0x287: {  	v3 =	vadd.s32 v1, v3  }
0x288: {  	[hbm4b:s2+s3] =	stream.indirect_vreg.scatter [tilespmem:s8], [sflag:$0x4], $0x80, v4, vm0, $0xb8;
	[tilespmem:$0x18800] =	vst v63  }
0x289: {  	s20 =	simm.s32 $0x1000  }
0x28a: {  	[hbm4b:s5+s3] =	stream.indirect_vreg.scatter [tilespmem:s20], [sflag:$0x4], $0x80, v4, vm0, $0xb8;
	[tilespmem:$0x18800] =	vst v63  }
0x28b: {  	s25 =	simm.s32 $0x1800  }
0x28c: {  	[hbm4b:s2+s3] =	stream.indirect_vreg.scatter [tilespmem:s25], [sflag:$0x4], $0x80, v3, vm0, $0xb8;
	[tilespmem:$0x18800] =	vst v63  }
0x28d: {  	s25 =	simm.s32 $0x2000  }
0x28e: {  	[hbm4b:s5+s3] =	stream.indirect_vreg.scatter [tilespmem:s25], [sflag:$0x4], $0x80, v3, vm0, $0xb8;
	[tilespmem:$0x18800] =	vst v63  }
0x28f: {  	v3 =	vld [tilespmem:$0x490];
	_ =	sdelay $0x4  }
0x290: {  	v37 =	vshll.u32 v3, $0x2  }
0x291: {  	v3 =	vand.u32 $0x7, v3;
	v4 =	vand.u32 $0xFFFFFFE0, v37  }
0x292: {  	v3 =	vor.u32 v3, v4  }
0x293: {  	v4 =	vperm.xlane v3, v0;
	_ =	sdelay $0x1  }
0x294: {  	v4 =	vadd.s32 v1, v4;
	_ =	sdelay $0x1  }
0x295: {  	v3 =	vperm.xlane v3, v2;
	_ =	sdelay $0x1  }
0x296: {  	s21 =	simm.s32 $0x2800;
	v3 =	vadd.s32 v1, v3  }
0x297: {  	[hbm4b:s2+s3] =	stream.indirect_vreg.scatter [tilespmem:s21], [sflag:$0x4], $0x80, v4, vm0, $0xb8;
	[tilespmem:$0x18800] =	vst v63  }
0x298: {  	s26 =	simm.s32 $0x3000  }
0x299: {  	[hbm4b:s5+s3] =	stream.indirect_vreg.scatter [tilespmem:s26], [sflag:$0x4], $0x80, v4, vm0, $0xb8;
	[tilespmem:$0x18800] =	vst v63  }
0x29a: {  	s30 =	simm.s32 $0x3800  }
0x29b: {  	[hbm4b:s2+s3] =	stream.indirect_vreg.scatter [tilespmem:s30], [sflag:$0x4], $0x80, v3, vm0, $0xb8;
	[tilespmem:$0x18800] =	vst v63  }
0x29c: {  	s30 =	simm.s32 $0x4000  }
0x29d: {  	[hbm4b:s5+s3] =	stream.indirect_vreg.scatter [tilespmem:s30], [sflag:$0x4], $0x80, v3, vm0, $0xb8;
	[tilespmem:$0x18800] =	vst v63  }
0x29e: {  	v3 =	vld [tilespmem:$0x4A0];
	_ =	sdelay $0x4  }
0x29f: {  	v38 =	vshll.u32 v3, $0x2  }
0x2a0: {  	v3 =	vand.u32 $0x7, v3;
	v4 =	vand.u32 $0xFFFFFFE0, v38  }
0x2a1: {  	v3 =	vor.u32 v3, v4  }
0x2a2: {  	v4 =	vperm.xlane v3, v0;
	_ =	sdelay $0x1  }
0x2a3: {  	v4 =	vadd.s32 v1, v4;
	_ =	sdelay $0x1  }
0x2a4: {  	v3 =	vperm.xlane v3, v2;
	_ =	sdelay $0x1  }
0x2a5: {  	s22 =	simm.s32 $0x4800;
	v3 =	vadd.s32 v1, v3  }
0x2a6: {  	[hbm4b:s2+s3] =	stream.indirect_vreg.scatter [tilespmem:s22], [sflag:$0x4], $0x80, v4, vm0, $0xb8;
	[tilespmem:$0x18800] =	vst v63  }
0x2a7: {  	s31 =	simm.s32 $0x5000  }
0x2a8: {  	[hbm4b:s5+s3] =	stream.indirect_vreg.scatter [tilespmem:s31], [sflag:$0x4], $0x80, v4, vm0, $0xb8;
	[tilespmem:$0x18800] =	vst v63  }
0x2a9: {  	s12 =	simm.s32 $0x5800  }
0x2aa: {  	[hbm4b:s2+s3] =	stream.indirect_vreg.scatter [tilespmem:s12], [sflag:$0x4], $0x80, v3, vm0, $0xb8;
	[tilespmem:$0x18800] =	vst v63  }
0x2ab: {  	s13 =	simm.s32 $0x6000  }
0x2ac: {  	[hbm4b:s5+s3] =	stream.indirect_vreg.scatter [tilespmem:s13], [sflag:$0x4], $0x80, v3, vm0, $0xb8;
	[tilespmem:$0x18800] =	vst v63  }
0x2ad: {  	v3 =	vld [tilespmem:$0x4B0];
	_ =	sdelay $0x4  }
0x2ae: {  	v39 =	vshll.u32 v3, $0x2  }
0x2af: {  	v3 =	vand.u32 $0x7, v3;
	v4 =	vand.u32 $0xFFFFFFE0, v39  }
0x2b0: {  	v3 =	vor.u32 v3, v4  }
0x2b1: {  	v4 =	vperm.xlane v3, v0;
	_ =	sdelay $0x1  }
0x2b2: {  	v4 =	vadd.s32 v1, v4;
	_ =	sdelay $0x1  }
0x2b3: {  	v3 =	vperm.xlane v3, v2;
	_ =	sdelay $0x1  }
0x2b4: {  	s23 =	simm.s32 $0x6800;
	v3 =	vadd.s32 v1, v3  }
0x2b5: {  	[hbm4b:s2+s3] =	stream.indirect_vreg.scatter [tilespmem:s23], [sflag:$0x4], $0x80, v4, vm0, $0xb8;
	[tilespmem:$0x18800] =	vst v63  }
0x2b6: {  	s16 =	simm.s32 $0x7000  }
0x2b7: {  	[hbm4b:s5+s3] =	stream.indirect_vreg.scatter [tilespmem:s16], [sflag:$0x4], $0x80, v4, vm0, $0xb8;
	[tilespmem:$0x18800] =	vst v63  }
0x2b8: {  	s18 =	simm.s32 $0x7800  }
0x2b9: {  	[hbm4b:s2+s3] =	stream.indirect_vreg.scatter [tilespmem:s18], [sflag:$0x4], $0x80, v3, vm0, $0xb8;
	[tilespmem:$0x18800] =	vst v63  }
0x2ba: {  	s24 =	simm.s32 $0x8000  }
0x2bb: {  	[hbm4b:s5+s3] =	stream.indirect_vreg.scatter [tilespmem:s24], [sflag:$0x4], $0x80, v3, vm0, $0xb8;
	[tilespmem:$0x18800] =	vst v63  }
0x2bc: {  	_ =	swait.ge [sflag:s28], $0x8000  }
0x2bd: {  	[sflag:s28] =	ssyncset.done $0x0  }
0x2be: {  	s19 =	rddreg [dreg:$0x10];
	[sflag:s28] =	ssyncadd.s32 $0xFFFF8000  }
0x2bf: {  	[tilespmem:s8], [sflag:$0x1] =	stream.linear.gather [hbm4b:s19+s3], $0x8000, $0x38;
	[tilespmem:$0x18800] =	vst v63  }
0x2c0: {  	_ =	swait.ge [sflag:s29], $0x8000  }
0x2c1: {  	[sflag:s29] =	ssyncset.done $0x0  }
0x2c2: {  	[sflag:s29] =	ssyncadd.s32 $0xFFFF8000  }
0x2c3: {  	v3 =	vld [tilespmem:$0x500];
	_ =	sdelay $0x4  }
0x2c4: {  	v40 =	vshll.u32 v3, $0x2  }
0x2c5: {  	v3 =	vand.u32 $0x7, v3;
	v4 =	vand.u32 $0xFFFFFFE0, v40  }
0x2c6: {  	v3 =	vor.u32 v3, v4  }
0x2c7: {  	v4 =	vperm.xlane v3, v0;
	_ =	sdelay $0x1  }
0x2c8: {  	v4 =	vadd.s32 v1, v4;
	_ =	sdelay $0x1  }
0x2c9: {  	v3 =	vperm.xlane v3, v2;
	_ =	sdelay $0x1  }
0x2ca: {  	v3 =	vadd.s32 v1, v3  }
0x2cb: {  	[hbm4b:s2+s3] =	stream.indirect_vreg.scatter [tilespmem:s10], [sflag:$0x5], $0x80, v4, vm0, $0xb8;
	[tilespmem:$0x18800] =	vst v63  }
0x2cc: {  	s21 =	simm.s32 $0x9000  }
0x2cd: {  	[hbm4b:s5+s3] =	stream.indirect_vreg.scatter [tilespmem:s21], [sflag:$0x5], $0x80, v4, vm0, $0xb8;
	[tilespmem:$0x18800] =	vst v63  }
0x2ce: {  	s22 =	simm.s32 $0x9800  }
0x2cf: {  	[hbm4b:s2+s3] =	stream.indirect_vreg.scatter [tilespmem:s22], [sflag:$0x5], $0x80, v3, vm0, $0xb8;
	[tilespmem:$0x18800] =	vst v63  }
0x2d0: {  	s23 =	simm.s32 $0xA000  }
0x2d1: {  	[hbm4b:s5+s3] =	stream.indirect_vreg.scatter [tilespmem:s23], [sflag:$0x5], $0x80, v3, vm0, $0xb8;
	[tilespmem:$0x18800] =	vst v63  }
0x2d2: {  	v3 =	vld [tilespmem:$0x510];
	_ =	sdelay $0x4  }
0x2d3: {  	v41 =	vshll.u32 v3, $0x2  }
0x2d4: {  	v3 =	vand.u32 $0x7, v3;
	v4 =	vand.u32 $0xFFFFFFE0, v41  }
0x2d5: {  	v3 =	vor.u32 v3, v4  }
0x2d6: {  	v4 =	vperm.xlane v3, v0;
	_ =	sdelay $0x1  }
0x2d7: {  	v4 =	vadd.s32 v1, v4;
	_ =	sdelay $0x1  }
0x2d8: {  	v3 =	vperm.xlane v3, v2;
	_ =	sdelay $0x1  }
0x2d9: {  	s24 =	simm.s32 $0xA800;
	v3 =	vadd.s32 v1, v3  }
0x2da: {  	[hbm4b:s2+s3] =	stream.indirect_vreg.scatter [tilespmem:s24], [sflag:$0x5], $0x80, v4, vm0, $0xb8;
	[tilespmem:$0x18800] =	vst v63  }
0x2db: {  	s25 =	simm.s32 $0xB000  }
0x2dc: {  	[hbm4b:s5+s3] =	stream.indirect_vreg.scatter [tilespmem:s25], [sflag:$0x5], $0x80, v4, vm0, $0xb8;
	[tilespmem:$0x18800] =	vst v63  }
0x2dd: {  	s26 =	simm.s32 $0xB800  }
0x2de: {  	[hbm4b:s2+s3] =	stream.indirect_vreg.scatter [tilespmem:s26], [sflag:$0x5], $0x80, v3, vm0, $0xb8;
	[tilespmem:$0x18800] =	vst v63  }
0x2df: {  	s30 =	simm.s32 $0xC000  }
0x2e0: {  	[hbm4b:s5+s3] =	stream.indirect_vreg.scatter [tilespmem:s30], [sflag:$0x5], $0x80, v3, vm0, $0xb8;
	[tilespmem:$0x18800] =	vst v63  }
0x2e1: {  	v3 =	vld [tilespmem:$0x520];
	_ =	sdelay $0x4  }
0x2e2: {  	v42 =	vshll.u32 v3, $0x2  }
0x2e3: {  	v3 =	vand.u32 $0x7, v3;
	v4 =	vand.u32 $0xFFFFFFE0, v42  }
0x2e4: {  	v3 =	vor.u32 v3, v4  }
0x2e5: {  	v4 =	vperm.xlane v3, v0;
	_ =	sdelay $0x1  }
0x2e6: {  	v4 =	vadd.s32 v1, v4;
	_ =	sdelay $0x1  }
0x2e7: {  	v3 =	vperm.xlane v3, v2;
	_ =	sdelay $0x1  }
0x2e8: {  	s31 =	simm.s32 $0xC800;
	v3 =	vadd.s32 v1, v3  }
0x2e9: {  	[hbm4b:s2+s3] =	stream.indirect_vreg.scatter [tilespmem:s31], [sflag:$0x5], $0x80, v4, vm0, $0xb8;
	[tilespmem:$0x18800] =	vst v63  }
0x2ea: {  	s12 =	simm.s32 $0xD000  }
0x2eb: {  	[hbm4b:s5+s3] =	stream.indirect_vreg.scatter [tilespmem:s12], [sflag:$0x5], $0x80, v4, vm0, $0xb8;
	[tilespmem:$0x18800] =	vst v63  }
0x2ec: {  	s13 =	simm.s32 $0xD800  }
0x2ed: {  	[hbm4b:s2+s3] =	stream.indirect_vreg.scatter [tilespmem:s13], [sflag:$0x5], $0x80, v3, vm0, $0xb8;
	[tilespmem:$0x18800] =	vst v63  }
0x2ee: {  	s16 =	simm.s32 $0xE000  }
0x2ef: {  	[hbm4b:s5+s3] =	stream.indirect_vreg.scatter [tilespmem:s16], [sflag:$0x5], $0x80, v3, vm0, $0xb8;
	[tilespmem:$0x18800] =	vst v63  }
0x2f0: {  	v3 =	vld [tilespmem:$0x530];
	_ =	sdelay $0x4  }
0x2f1: {  	v43 =	vshll.u32 v3, $0x2  }
0x2f2: {  	v3 =	vand.u32 $0x7, v3;
	v4 =	vand.u32 $0xFFFFFFE0, v43  }
0x2f3: {  	v3 =	vor.u32 v3, v4  }
0x2f4: {  	v4 =	vperm.xlane v3, v0;
	_ =	sdelay $0x1  }
0x2f5: {  	v4 =	vadd.s32 v1, v4;
	_ =	sdelay $0x1  }
0x2f6: {  	v3 =	vperm.xlane v3, v2;
	_ =	sdelay $0x1  }
0x2f7: {  	s18 =	simm.s32 $0xE800;
	v3 =	vadd.s32 v1, v3  }
0x2f8: {  	[hbm4b:s2+s3] =	stream.indirect_vreg.scatter [tilespmem:s18], [sflag:$0x5], $0x80, v4, vm0, $0xb8;
	[tilespmem:$0x18800] =	vst v63  }
0x2f9: {  	s19 =	simm.s32 $0xF000  }
0x2fa: {  	[hbm4b:s5+s3] =	stream.indirect_vreg.scatter [tilespmem:s19], [sflag:$0x5], $0x80, v4, vm0, $0xb8;
	[tilespmem:$0x18800] =	vst v63  }
0x2fb: {  	s21 =	simm.s32 $0xF800  }
0x2fc: {  	[hbm4b:s2+s3] =	stream.indirect_vreg.scatter [tilespmem:s21], [sflag:$0x5], $0x80, v3, vm0, $0xb8;
	[tilespmem:$0x18800] =	vst v63  }
0x2fd: {  	s22 =	simm.s32 $0x10000  }
0x2fe: {  	[hbm4b:s5+s3] =	stream.indirect_vreg.scatter [tilespmem:s22], [sflag:$0x5], $0x80, v3, vm0, $0xb8;
	[tilespmem:$0x18800] =	vst v63  }
0x2ff: {  	_ =	swait.ge [sflag:s0], $0x8000  }
0x300: {  	[sflag:s0] =	ssyncset.done $0x0  }
0x301: {  	s23 =	rddreg [dreg:$0x11];
	[sflag:s0] =	ssyncadd.s32 $0xFFFF8000  }
0x302: {  	[tilespmem:s10], [sflag:$0x2] =	stream.linear.gather [hbm4b:s23+s3], $0x8000, $0x38;
	[tilespmem:$0x18800] =	vst v63  }
0x303: {  	_ =	swait.ge [sflag:s4], $0x8000  }
0x304: {  	[sflag:s4] =	ssyncset.done $0x0  }
0x305: {  	[sflag:s4] =	ssyncadd.s32 $0xFFFF8000  }
0x306: {  	v3 =	vld [tilespmem:$0x580];
	_ =	sdelay $0x4  }
0x307: {  	v44 =	vshll.u32 v3, $0x2  }
0x308: {  	v3 =	vand.u32 $0x7, v3;
	v4 =	vand.u32 $0xFFFFFFE0, v44  }
0x309: {  	v3 =	vor.u32 v3, v4  }
0x30a: {  	v4 =	vperm.xlane v3, v0;
	_ =	sdelay $0x1  }
0x30b: {  	v4 =	vadd.s32 v1, v4;
	_ =	sdelay $0x1  }
0x30c: {  	v3 =	vperm.xlane v3, v2;
	_ =	sdelay $0x1  }
0x30d: {  	v3 =	vadd.s32 v1, v3  }
0x30e: {  	[hbm4b:s2+s3] =	stream.indirect_vreg.scatter [tilespmem:s7], [sflag:$0x6], $0x80, v4, vm0, $0xb8;
	[tilespmem:$0x18800] =	vst v63  }
0x30f: {  	s24 =	simm.s32 $0x11000  }
0x310: {  	[hbm4b:s5+s3] =	stream.indirect_vreg.scatter [tilespmem:s24], [sflag:$0x6], $0x80, v4, vm0, $0xb8;
	[tilespmem:$0x18800] =	vst v63  }
0x311: {  	s25 =	simm.s32 $0x11800  }
0x312: {  	[hbm4b:s2+s3] =	stream.indirect_vreg.scatter [tilespmem:s25], [sflag:$0x6], $0x80, v3, vm0, $0xb8;
	[tilespmem:$0x18800] =	vst v63  }
0x313: {  	s14 =	simm.s32 $0x12000  }
0x314: {  	[hbm4b:s5+s3] =	stream.indirect_vreg.scatter [tilespmem:s14], [sflag:$0x6], $0x80, v3, vm0, $0xb8;
	[tilespmem:$0x18800] =	vst v63  }
0x315: {  	v3 =	vld [tilespmem:$0x590];
	_ =	sdelay $0x4  }
0x316: {  	v45 =	vshll.u32 v3, $0x2  }
0x317: {  	v3 =	vand.u32 $0x7, v3;
	v4 =	vand.u32 $0xFFFFFFE0, v45  }
0x318: {  	v3 =	vor.u32 v3, v4  }
0x319: {  	v4 =	vperm.xlane v3, v0;
	_ =	sdelay $0x1  }
0x31a: {  	v4 =	vadd.s32 v1, v4;
	_ =	sdelay $0x1  }
0x31b: {  	v3 =	vperm.xlane v3, v2;
	_ =	sdelay $0x1  }
0x31c: {  	s26 =	simm.s32 $0x12800;
	v3 =	vadd.s32 v1, v3  }
0x31d: {  	[hbm4b:s2+s3] =	stream.indirect_vreg.scatter [tilespmem:s26], [sflag:$0x6], $0x80, v4, vm0, $0xb8;
	[tilespmem:$0x18800] =	vst v63  }
0x31e: {  	s12 =	simm.s32 $0x13000  }
0x31f: {  	[hbm4b:s5+s3] =	stream.indirect_vreg.scatter [tilespmem:s12], [sflag:$0x6], $0x80, v4, vm0, $0xb8;
	[tilespmem:$0x18800] =	vst v63  }
0x320: {  	s13 =	simm.s32 $0x13800  }
0x321: {  	[hbm4b:s2+s3] =	stream.indirect_vreg.scatter [tilespmem:s13], [sflag:$0x6], $0x80, v3, vm0, $0xb8;
	[tilespmem:$0x18800] =	vst v63  }
0x322: {  	s14 =	simm.s32 $0x14000  }
0x323: {  	[hbm4b:s5+s3] =	stream.indirect_vreg.scatter [tilespmem:s14], [sflag:$0x6], $0x80, v3, vm0, $0xb8;
	[tilespmem:$0x18800] =	vst v63  }
0x324: {  	v3 =	vld [tilespmem:$0x5A0];
	_ =	sdelay $0x4  }
0x325: {  	v46 =	vshll.u32 v3, $0x2  }
0x326: {  	v3 =	vand.u32 $0x7, v3;
	v4 =	vand.u32 $0xFFFFFFE0, v46  }
0x327: {  	v3 =	vor.u32 v3, v4  }
0x328: {  	v4 =	vperm.xlane v3, v0;
	_ =	sdelay $0x1  }
0x329: {  	v4 =	vadd.s32 v1, v4;
	_ =	sdelay $0x1  }
0x32a: {  	v3 =	vperm.xlane v3, v2;
	_ =	sdelay $0x1  }
0x32b: {  	s16 =	simm.s32 $0x14800;
	v3 =	vadd.s32 v1, v3  }
0x32c: {  	[hbm4b:s2+s3] =	stream.indirect_vreg.scatter [tilespmem:s16], [sflag:$0x6], $0x80, v4, vm0, $0xb8;
	[tilespmem:$0x18800] =	vst v63  }
0x32d: {  	s18 =	simm.s32 $0x15000  }
0x32e: {  	[hbm4b:s5+s3] =	stream.indirect_vreg.scatter [tilespmem:s18], [sflag:$0x6], $0x80, v4, vm0, $0xb8;
	[tilespmem:$0x18800] =	vst v63  }
0x32f: {  	s19 =	simm.s32 $0x15800  }
0x330: {  	[hbm4b:s2+s3] =	stream.indirect_vreg.scatter [tilespmem:s19], [sflag:$0x6], $0x80, v3, vm0, $0xb8;
	[tilespmem:$0x18800] =	vst v63  }
0x331: {  	s21 =	simm.s32 $0x16000  }
0x332: {  	[hbm4b:s5+s3] =	stream.indirect_vreg.scatter [tilespmem:s21], [sflag:$0x6], $0x80, v3, vm0, $0xb8;
	[tilespmem:$0x18800] =	vst v63  }
0x333: {  	v3 =	vld [tilespmem:$0x5B0];
	_ =	sdelay $0x4  }
0x334: {  	v47 =	vshll.u32 v3, $0x2  }
0x335: {  	v3 =	vand.u32 $0x7, v3;
	v4 =	vand.u32 $0xFFFFFFE0, v47  }
0x336: {  	v3 =	vor.u32 v3, v4  }
0x337: {  	v4 =	vperm.xlane v3, v0;
	_ =	sdelay $0x1  }
0x338: {  	v4 =	vadd.s32 v1, v4;
	_ =	sdelay $0x1  }
0x339: {  	v3 =	vperm.xlane v3, v2;
	_ =	sdelay $0x1  }
0x33a: {  	s22 =	simm.s32 $0x16800;
	v3 =	vadd.s32 v1, v3  }
0x33b: {  	[hbm4b:s2+s3] =	stream.indirect_vreg.scatter [tilespmem:s22], [sflag:$0x6], $0x80, v4, vm0, $0xb8;
	[tilespmem:$0x18800] =	vst v63  }
0x33c: {  	s23 =	simm.s32 $0x17000  }
0x33d: {  	[hbm4b:s5+s3] =	stream.indirect_vreg.scatter [tilespmem:s23], [sflag:$0x6], $0x80, v4, vm0, $0xb8;
	[tilespmem:$0x18800] =	vst v63  }
0x33e: {  	s24 =	simm.s32 $0x17800  }
0x33f: {  	[hbm4b:s2+s3] =	stream.indirect_vreg.scatter [tilespmem:s24], [sflag:$0x6], $0x80, v3, vm0, $0xb8;
	[tilespmem:$0x18800] =	vst v63  }
0x340: {  	s25 =	simm.s32 $0x18000  }
0x341: {  	[hbm4b:s5+s3] =	stream.indirect_vreg.scatter [tilespmem:s25], [sflag:$0x6], $0x80, v3, vm0, $0xb8;
	[tilespmem:$0x18800] =	vst v63  }
0x342: {  	_ =	swait.ge [sflag:s1], $0x8000  }
0x343: {  	[sflag:s1] =	ssyncset.done $0x0  }
0x344: {  	s26 =	rddreg [dreg:$0x12];
	[sflag:s1] =	ssyncadd.s32 $0xFFFF8000  }
0x345: {  	[tilespmem:s7], [sflag:$0x3] =	stream.linear.gather [hbm4b:s26+s3], $0x8000, $0x38;
	[tilespmem:$0x18800] =	vst v63  }
0x346: {  	_ =	swait.ge [sflag:s11], $0x8000  }
0x347: {  	[sflag:s11] =	ssyncset.done $0x0  }
0x348: {  	[sflag:s11] =	ssyncadd.s32 $0xFFFF8000  }
0x349: {  	v3 =	vld [tilespmem:$0x600];
	_ =	sdelay $0x4  }
0x34a: {  	v48 =	vshll.u32 v3, $0x2  }
0x34b: {  	v3 =	vand.u32 $0x7, v3;
	v4 =	vand.u32 $0xFFFFFFE0, v48  }
0x34c: {  	v3 =	vor.u32 v3, v4  }
0x34d: {  	v4 =	vperm.xlane v3, v0;
	_ =	sdelay $0x1  }
0x34e: {  	v4 =	vadd.s32 v1, v4;
	_ =	sdelay $0x1  }
0x34f: {  	v3 =	vperm.xlane v3, v2;
	_ =	sdelay $0x1  }
0x350: {  	v3 =	vadd.s32 v1, v3  }
0x351: {  	[hbm4b:s2+s3] =	stream.indirect_vreg.scatter [tilespmem:s8], [sflag:$0x4], $0x80, v4, vm0, $0xb8;
	[tilespmem:$0x18800] =	vst v63  }
0x352: {  	s12 =	simm.s32 $0x1000  }
0x353: {  	[hbm4b:s5+s3] =	stream.indirect_vreg.scatter [tilespmem:s12], [sflag:$0x4], $0x80, v4, vm0, $0xb8;
	[tilespmem:$0x18800] =	vst v63  }
0x354: {  	s13 =	simm.s32 $0x1800  }
0x355: {  	[hbm4b:s2+s3] =	stream.indirect_vreg.scatter [tilespmem:s13], [sflag:$0x4], $0x80, v3, vm0, $0xb8;
	[tilespmem:$0x18800] =	vst v63  }
0x356: {  	s15 =	simm.s32 $0x2000  }
0x357: {  	[hbm4b:s5+s3] =	stream.indirect_vreg.scatter [tilespmem:s15], [sflag:$0x4], $0x80, v3, vm0, $0xb8;
	[tilespmem:$0x18800] =	vst v63  }
0x358: {  	v3 =	vld [tilespmem:$0x610];
	_ =	sdelay $0x4  }
0x359: {  	v49 =	vshll.u32 v3, $0x2  }
0x35a: {  	v3 =	vand.u32 $0x7, v3;
	v4 =	vand.u32 $0xFFFFFFE0, v49  }
0x35b: {  	v3 =	vor.u32 v3, v4  }
0x35c: {  	v4 =	vperm.xlane v3, v0;
	_ =	sdelay $0x1  }
0x35d: {  	v4 =	vadd.s32 v1, v4;
	_ =	sdelay $0x1  }
0x35e: {  	v3 =	vperm.xlane v3, v2;
	_ =	sdelay $0x1  }
0x35f: {  	s14 =	simm.s32 $0x2800;
	v3 =	vadd.s32 v1, v3  }
0x360: {  	[hbm4b:s2+s3] =	stream.indirect_vreg.scatter [tilespmem:s14], [sflag:$0x4], $0x80, v4, vm0, $0xb8;
	[tilespmem:$0x18800] =	vst v63  }
0x361: {  	s15 =	simm.s32 $0x3000  }
0x362: {  	[hbm4b:s5+s3] =	stream.indirect_vreg.scatter [tilespmem:s15], [sflag:$0x4], $0x80, v4, vm0, $0xb8;
	[tilespmem:$0x18800] =	vst v63  }
0x363: {  	s16 =	simm.s32 $0x3800  }
0x364: {  	[hbm4b:s2+s3] =	stream.indirect_vreg.scatter [tilespmem:s16], [sflag:$0x4], $0x80, v3, vm0, $0xb8;
	[tilespmem:$0x18800] =	vst v63  }
0x365: {  	s17 =	simm.s32 $0x4000  }
0x366: {  	[hbm4b:s5+s3] =	stream.indirect_vreg.scatter [tilespmem:s17], [sflag:$0x4], $0x80, v3, vm0, $0xb8;
	[tilespmem:$0x18800] =	vst v63  }
0x367: {  	v3 =	vld [tilespmem:$0x620];
	_ =	sdelay $0x4  }
0x368: {  	v50 =	vshll.u32 v3, $0x2  }
0x369: {  	v3 =	vand.u32 $0x7, v3;
	v4 =	vand.u32 $0xFFFFFFE0, v50  }
0x36a: {  	v3 =	vor.u32 v3, v4  }
0x36b: {  	v4 =	vperm.xlane v3, v0;
	_ =	sdelay $0x1  }
0x36c: {  	v4 =	vadd.s32 v1, v4;
	_ =	sdelay $0x1  }
0x36d: {  	v3 =	vperm.xlane v3, v2;
	_ =	sdelay $0x1  }
0x36e: {  	s17 =	simm.s32 $0x4800;
	v3 =	vadd.s32 v1, v3  }
0x36f: {  	[hbm4b:s2+s3] =	stream.indirect_vreg.scatter [tilespmem:s17], [sflag:$0x4], $0x80, v4, vm0, $0xb8;
	[tilespmem:$0x18800] =	vst v63  }
0x370: {  	s18 =	simm.s32 $0x5000  }
0x371: {  	[hbm4b:s5+s3] =	stream.indirect_vreg.scatter [tilespmem:s18], [sflag:$0x4], $0x80, v4, vm0, $0xb8;
	[tilespmem:$0x18800] =	vst v63  }
0x372: {  	s19 =	simm.s32 $0x5800  }
0x373: {  	[hbm4b:s2+s3] =	stream.indirect_vreg.scatter [tilespmem:s19], [sflag:$0x4], $0x80, v3, vm0, $0xb8;
	[tilespmem:$0x18800] =	vst v63  }
0x374: {  	s20 =	simm.s32 $0x6000  }
0x375: {  	[hbm4b:s5+s3] =	stream.indirect_vreg.scatter [tilespmem:s20], [sflag:$0x4], $0x80, v3, vm0, $0xb8;
	[tilespmem:$0x18800] =	vst v63  }
0x376: {  	v3 =	vld [tilespmem:$0x630];
	_ =	sdelay $0x4  }
0x377: {  	v51 =	vshll.u32 v3, $0x2  }
0x378: {  	v3 =	vand.u32 $0x7, v3;
	v4 =	vand.u32 $0xFFFFFFE0, v51  }
0x379: {  	v3 =	vor.u32 v3, v4  }
0x37a: {  	v4 =	vperm.xlane v3, v0;
	_ =	sdelay $0x1  }
0x37b: {  	v4 =	vadd.s32 v1, v4;
	_ =	sdelay $0x1  }
0x37c: {  	v3 =	vperm.xlane v3, v2;
	_ =	sdelay $0x1  }
0x37d: {  	s20 =	simm.s32 $0x6800;
	v3 =	vadd.s32 v1, v3  }
0x37e: {  	[hbm4b:s2+s3] =	stream.indirect_vreg.scatter [tilespmem:s20], [sflag:$0x4], $0x80, v4, vm0, $0xb8;
	[tilespmem:$0x18800] =	vst v63  }
0x37f: {  	s21 =	simm.s32 $0x7000  }
0x380: {  	[hbm4b:s5+s3] =	stream.indirect_vreg.scatter [tilespmem:s21], [sflag:$0x4], $0x80, v4, vm0, $0xb8;
	[tilespmem:$0x18800] =	vst v63  }
0x381: {  	s22 =	simm.s32 $0x7800  }
0x382: {  	[hbm4b:s2+s3] =	stream.indirect_vreg.scatter [tilespmem:s22], [sflag:$0x4], $0x80, v3, vm0, $0xb8;
	[tilespmem:$0x18800] =	vst v63  }
0x383: {  	s26 =	simm.s32 $0x8000  }
0x384: {  	[hbm4b:s5+s3] =	stream.indirect_vreg.scatter [tilespmem:s26], [sflag:$0x4], $0x80, v3, vm0, $0xb8;
	[tilespmem:$0x18800] =	vst v63  }
0x385: {  	_ =	swait.ge [sflag:s28], $0x8000  }
0x386: {  	[sflag:s28] =	ssyncset.done $0x0  }
0x387: {  	s9 =	rddreg [dreg:$0x13];
	[sflag:s28] =	ssyncadd.s32 $0xFFFF8000  }
0x388: {  	[tilespmem:s8], [sflag:$0x1] =	stream.linear.gather [hbm4b:s9+s3], $0x8000, $0x38;
	[tilespmem:$0x18800] =	vst v63  }
0x389: {  	_ =	swait.ge [sflag:s29], $0x8000  }
0x38a: {  	[sflag:s29] =	ssyncset.done $0x0  }
0x38b: {  	[sflag:s29] =	ssyncadd.s32 $0xFFFF8000  }
0x38c: {  	v3 =	vld [tilespmem:$0x680];
	_ =	sdelay $0x4  }
0x38d: {  	v52 =	vshll.u32 v3, $0x2  }
0x38e: {  	v3 =	vand.u32 $0x7, v3;
	v4 =	vand.u32 $0xFFFFFFE0, v52  }
0x38f: {  	v3 =	vor.u32 v3, v4  }
0x390: {  	v4 =	vperm.xlane v3, v0;
	_ =	sdelay $0x1  }
0x391: {  	v4 =	vadd.s32 v1, v4;
	_ =	sdelay $0x1  }
0x392: {  	v3 =	vperm.xlane v3, v2;
	_ =	sdelay $0x1  }
0x393: {  	v3 =	vadd.s32 v1, v3  }
0x394: {  	[hbm4b:s2+s3] =	stream.indirect_vreg.scatter [tilespmem:s10], [sflag:$0x5], $0x80, v4, vm0, $0xb8;
	[tilespmem:$0x18800] =	vst v63  }
0x395: {  	s9 =	simm.s32 $0x9000  }
0x396: {  	[hbm4b:s5+s3] =	stream.indirect_vreg.scatter [tilespmem:s9], [sflag:$0x5], $0x80, v4, vm0, $0xb8;
	[tilespmem:$0x18800] =	vst v63  }
0x397: {  	s9 =	simm.s32 $0x9800  }
0x398: {  	[hbm4b:s2+s3] =	stream.indirect_vreg.scatter [tilespmem:s9], [sflag:$0x5], $0x80, v3, vm0, $0xb8;
	[tilespmem:$0x18800] =	vst v63  }
0x399: {  	s9 =	simm.s32 $0xA000  }
0x39a: {  	[hbm4b:s5+s3] =	stream.indirect_vreg.scatter [tilespmem:s9], [sflag:$0x5], $0x80, v3, vm0, $0xb8;
	[tilespmem:$0x18800] =	vst v63  }
0x39b: {  	v3 =	vld [tilespmem:$0x690];
	_ =	sdelay $0x4  }
0x39c: {  	v53 =	vshll.u32 v3, $0x2  }
0x39d: {  	v3 =	vand.u32 $0x7, v3;
	v4 =	vand.u32 $0xFFFFFFE0, v53  }
0x39e: {  	v3 =	vor.u32 v3, v4  }
0x39f: {  	v4 =	vperm.xlane v3, v0;
	_ =	sdelay $0x1  }
0x3a0: {  	v4 =	vadd.s32 v1, v4;
	_ =	sdelay $0x1  }
0x3a1: {  	v3 =	vperm.xlane v3, v2;
	_ =	sdelay $0x1  }
0x3a2: {  	s9 =	simm.s32 $0xA800;
	v3 =	vadd.s32 v1, v3  }
0x3a3: {  	[hbm4b:s2+s3] =	stream.indirect_vreg.scatter [tilespmem:s9], [sflag:$0x5], $0x80, v4, vm0, $0xb8;
	[tilespmem:$0x18800] =	vst v63  }
0x3a4: {  	s9 =	simm.s32 $0xB000  }
0x3a5: {  	[hbm4b:s5+s3] =	stream.indirect_vreg.scatter [tilespmem:s9], [sflag:$0x5], $0x80, v4, vm0, $0xb8;
	[tilespmem:$0x18800] =	vst v63  }
0x3a6: {  	s9 =	simm.s32 $0xB800  }
0x3a7: {  	[hbm4b:s2+s3] =	stream.indirect_vreg.scatter [tilespmem:s9], [sflag:$0x5], $0x80, v3, vm0, $0xb8;
	[tilespmem:$0x18800] =	vst v63  }
0x3a8: {  	s9 =	simm.s32 $0xC000  }
0x3a9: {  	[hbm4b:s5+s3] =	stream.indirect_vreg.scatter [tilespmem:s9], [sflag:$0x5], $0x80, v3, vm0, $0xb8;
	[tilespmem:$0x18800] =	vst v63  }
0x3aa: {  	v3 =	vld [tilespmem:$0x6A0];
	_ =	sdelay $0x4  }
0x3ab: {  	v54 =	vshll.u32 v3, $0x2  }
0x3ac: {  	v3 =	vand.u32 $0x7, v3;
	v4 =	vand.u32 $0xFFFFFFE0, v54  }
0x3ad: {  	v3 =	vor.u32 v3, v4  }
0x3ae: {  	v4 =	vperm.xlane v3, v0;
	_ =	sdelay $0x1  }
0x3af: {  	v4 =	vadd.s32 v1, v4;
	_ =	sdelay $0x1  }
0x3b0: {  	v3 =	vperm.xlane v3, v2;
	_ =	sdelay $0x1  }
0x3b1: {  	s9 =	simm.s32 $0xC800;
	v3 =	vadd.s32 v1, v3  }
0x3b2: {  	[hbm4b:s2+s3] =	stream.indirect_vreg.scatter [tilespmem:s9], [sflag:$0x5], $0x80, v4, vm0, $0xb8;
	[tilespmem:$0x18800] =	vst v63  }
0x3b3: {  	s9 =	simm.s32 $0xD000  }
0x3b4: {  	[hbm4b:s5+s3] =	stream.indirect_vreg.scatter [tilespmem:s9], [sflag:$0x5], $0x80, v4, vm0, $0xb8;
	[tilespmem:$0x18800] =	vst v63  }
0x3b5: {  	s9 =	simm.s32 $0xD800  }
0x3b6: {  	[hbm4b:s2+s3] =	stream.indirect_vreg.scatter [tilespmem:s9], [sflag:$0x5], $0x80, v3, vm0, $0xb8;
	[tilespmem:$0x18800] =	vst v63  }
0x3b7: {  	s9 =	simm.s32 $0xE000  }
0x3b8: {  	[hbm4b:s5+s3] =	stream.indirect_vreg.scatter [tilespmem:s9], [sflag:$0x5], $0x80, v3, vm0, $0xb8;
	[tilespmem:$0x18800] =	vst v63  }
0x3b9: {  	v3 =	vld [tilespmem:$0x6B0];
	_ =	sdelay $0x4  }
0x3ba: {  	v55 =	vshll.u32 v3, $0x2  }
0x3bb: {  	v3 =	vand.u32 $0x7, v3;
	v4 =	vand.u32 $0xFFFFFFE0, v55  }
0x3bc: {  	v3 =	vor.u32 v3, v4  }
0x3bd: {  	v4 =	vperm.xlane v3, v0;
	_ =	sdelay $0x1  }
0x3be: {  	v4 =	vadd.s32 v1, v4;
	_ =	sdelay $0x1  }
0x3bf: {  	v3 =	vperm.xlane v3, v2;
	_ =	sdelay $0x1  }
0x3c0: {  	s9 =	simm.s32 $0xE800;
	v3 =	vadd.s32 v1, v3  }
0x3c1: {  	[hbm4b:s2+s3] =	stream.indirect_vreg.scatter [tilespmem:s9], [sflag:$0x5], $0x80, v4, vm0, $0xb8;
	[tilespmem:$0x18800] =	vst v63  }
0x3c2: {  	s9 =	simm.s32 $0xF000  }
0x3c3: {  	[hbm4b:s5+s3] =	stream.indirect_vreg.scatter [tilespmem:s9], [sflag:$0x5], $0x80, v4, vm0, $0xb8;
	[tilespmem:$0x18800] =	vst v63  }
0x3c4: {  	s9 =	simm.s32 $0xF800  }
0x3c5: {  	[hbm4b:s2+s3] =	stream.indirect_vreg.scatter [tilespmem:s9], [sflag:$0x5], $0x80, v3, vm0, $0xb8;
	[tilespmem:$0x18800] =	vst v63  }
0x3c6: {  	s9 =	simm.s32 $0x10000  }
0x3c7: {  	[hbm4b:s5+s3] =	stream.indirect_vreg.scatter [tilespmem:s9], [sflag:$0x5], $0x80, v3, vm0, $0xb8;
	[tilespmem:$0x18800] =	vst v63  }
0x3c8: {  	_ =	swait.ge [sflag:s4], $0x8000  }
0x3c9: {  	[sflag:s4] =	ssyncset.done $0x0  }
0x3ca: {  	[sflag:s4] =	ssyncadd.s32 $0xFFFF8000  }
0x3cb: {  	v3 =	vld [tilespmem:$0x700];
	_ =	sdelay $0x4  }
0x3cc: {  	v56 =	vshll.u32 v3, $0x2  }
0x3cd: {  	v3 =	vand.u32 $0x7, v3;
	v4 =	vand.u32 $0xFFFFFFE0, v56  }
0x3ce: {  	v3 =	vor.u32 v3, v4  }
0x3cf: {  	v4 =	vperm.xlane v3, v0;
	_ =	sdelay $0x1  }
0x3d0: {  	v4 =	vadd.s32 v1, v4;
	_ =	sdelay $0x1  }
0x3d1: {  	v3 =	vperm.xlane v3, v2;
	_ =	sdelay $0x1  }
0x3d2: {  	v3 =	vadd.s32 v1, v3  }
0x3d3: {  	[hbm4b:s2+s3] =	stream.indirect_vreg.scatter [tilespmem:s7], [sflag:$0x6], $0x80, v4, vm0, $0xb8;
	[tilespmem:$0x18800] =	vst v63  }
0x3d4: {  	s30 =	simm.s32 $0x11000  }
0x3d5: {  	[hbm4b:s5+s3] =	stream.indirect_vreg.scatter [tilespmem:s30], [sflag:$0x6], $0x80, v4, vm0, $0xb8;
	[tilespmem:$0x18800] =	vst v63  }
0x3d6: {  	s31 =	simm.s32 $0x11800  }
0x3d7: {  	[hbm4b:s2+s3] =	stream.indirect_vreg.scatter [tilespmem:s31], [sflag:$0x6], $0x80, v3, vm0, $0xb8;
	[tilespmem:$0x18800] =	vst v63  }
0x3d8: {  	s31 =	simm.s32 $0x12000  }
0x3d9: {  	[hbm4b:s5+s3] =	stream.indirect_vreg.scatter [tilespmem:s31], [sflag:$0x6], $0x80, v3, vm0, $0xb8;
	[tilespmem:$0x18800] =	vst v63  }
0x3da: {  	v3 =	vld [tilespmem:$0x710];
	_ =	sdelay $0x4  }
0x3db: {  	v57 =	vshll.u32 v3, $0x2  }
0x3dc: {  	v3 =	vand.u32 $0x7, v3;
	v4 =	vand.u32 $0xFFFFFFE0, v57  }
0x3dd: {  	v3 =	vor.u32 v3, v4  }
0x3de: {  	v4 =	vperm.xlane v3, v0;
	_ =	sdelay $0x1  }
0x3df: {  	v4 =	vadd.s32 v1, v4;
	_ =	sdelay $0x1  }
0x3e0: {  	v3 =	vperm.xlane v3, v2;
	_ =	sdelay $0x1  }
0x3e1: {  	s9 =	simm.s32 $0x12800;
	v3 =	vadd.s32 v1, v3  }
0x3e2: {  	[hbm4b:s2+s3] =	stream.indirect_vreg.scatter [tilespmem:s9], [sflag:$0x6], $0x80, v4, vm0, $0xb8;
	[tilespmem:$0x18800] =	vst v63  }
0x3e3: {  	s30 =	simm.s32 $0x13000  }
0x3e4: {  	[hbm4b:s5+s3] =	stream.indirect_vreg.scatter [tilespmem:s30], [sflag:$0x6], $0x80, v4, vm0, $0xb8;
	[tilespmem:$0x18800] =	vst v63  }
0x3e5: {  	s31 =	simm.s32 $0x13800  }
0x3e6: {  	[hbm4b:s2+s3] =	stream.indirect_vreg.scatter [tilespmem:s31], [sflag:$0x6], $0x80, v3, vm0, $0xb8;
	[tilespmem:$0x18800] =	vst v63  }
0x3e7: {  	s9 =	simm.s32 $0x14000  }
0x3e8: {  	[hbm4b:s5+s3] =	stream.indirect_vreg.scatter [tilespmem:s9], [sflag:$0x6], $0x80, v3, vm0, $0xb8;
	[tilespmem:$0x18800] =	vst v63  }
0x3e9: {  	v3 =	vld [tilespmem:$0x720];
	_ =	sdelay $0x4  }
0x3ea: {  	v58 =	vshll.u32 v3, $0x2  }
0x3eb: {  	v3 =	vand.u32 $0x7, v3;
	v4 =	vand.u32 $0xFFFFFFE0, v58  }
0x3ec: {  	v3 =	vor.u32 v3, v4  }
0x3ed: {  	v4 =	vperm.xlane v3, v0;
	_ =	sdelay $0x1  }
0x3ee: {  	v4 =	vadd.s32 v1, v4;
	_ =	sdelay $0x1  }
0x3ef: {  	v3 =	vperm.xlane v3, v2;
	_ =	sdelay $0x1  }
0x3f0: {  	s30 =	simm.s32 $0x14800;
	v3 =	vadd.s32 v1, v3  }
0x3f1: {  	[hbm4b:s2+s3] =	stream.indirect_vreg.scatter [tilespmem:s30], [sflag:$0x6], $0x80, v4, vm0, $0xb8;
	[tilespmem:$0x18800] =	vst v63  }
0x3f2: {  	s31 =	simm.s32 $0x15000  }
0x3f3: {  	[hbm4b:s5+s3] =	stream.indirect_vreg.scatter [tilespmem:s31], [sflag:$0x6], $0x80, v4, vm0, $0xb8;
	[tilespmem:$0x18800] =	vst v63  }
0x3f4: {  	s9 =	simm.s32 $0x15800  }
0x3f5: {  	[hbm4b:s2+s3] =	stream.indirect_vreg.scatter [tilespmem:s9], [sflag:$0x6], $0x80, v3, vm0, $0xb8;
	[tilespmem:$0x18800] =	vst v63  }
0x3f6: {  	s30 =	simm.s32 $0x16000  }
0x3f7: {  	[hbm4b:s5+s3] =	stream.indirect_vreg.scatter [tilespmem:s30], [sflag:$0x6], $0x80, v3, vm0, $0xb8;
	[tilespmem:$0x18800] =	vst v63  }
0x3f8: {  	v3 =	vld [tilespmem:$0x730];
	_ =	sdelay $0x4  }
0x3f9: {  	v59 =	vshll.u32 v3, $0x2  }
0x3fa: {  	v3 =	vand.u32 $0x7, v3;
	v4 =	vand.u32 $0xFFFFFFE0, v59  }
0x3fb: {  	v3 =	vor.u32 v3, v4  }
0x3fc: {  	v4 =	vperm.xlane v3, v0;
	_ =	sdelay $0x1  }
0x3fd: {  	v4 =	vadd.s32 v1, v4;
	_ =	sdelay $0x1  }
0x3fe: {  	v3 =	vperm.xlane v3, v2;
	_ =	sdelay $0x1  }
0x3ff: {  	s31 =	simm.s32 $0x16800;
	v3 =	vadd.s32 v1, v3  }
0x400: {  	[hbm4b:s2+s3] =	stream.indirect_vreg.scatter [tilespmem:s31], [sflag:$0x6], $0x80, v4, vm0, $0xb8;
	[tilespmem:$0x18800] =	vst v63  }
0x401: {  	s9 =	simm.s32 $0x17000  }
0x402: {  	[hbm4b:s5+s3] =	stream.indirect_vreg.scatter [tilespmem:s9], [sflag:$0x6], $0x80, v4, vm0, $0xb8;
	[tilespmem:$0x18800] =	vst v63  }
0x403: {  	s30 =	simm.s32 $0x17800  }
0x404: {  	[hbm4b:s2+s3] =	stream.indirect_vreg.scatter [tilespmem:s30], [sflag:$0x6], $0x80, v3, vm0, $0xb8;
	[tilespmem:$0x18800] =	vst v63  }
0x405: {  	s31 =	simm.s32 $0x18000  }
0x406: {  	[hbm4b:s5+s3] =	stream.indirect_vreg.scatter [tilespmem:s31], [sflag:$0x6], $0x80, v3, vm0, $0xb8;
	[tilespmem:$0x18800] =	vst v63  }
0x407: {  	_ =	swait.ge [sflag:s11], $0x8000  }
0x408: {  	[sflag:s11] =	ssyncset.done $0x0  }
0x409: {  	[sflag:s11] =	ssyncadd.s32 $0xFFFF8000  }
0x40a: {  	v3 =	vld [tilespmem:$0x780];
	_ =	sdelay $0x4  }
0x40b: {  	v60 =	vshll.u32 v3, $0x2  }
0x40c: {  	v3 =	vand.u32 $0x7, v3;
	v4 =	vand.u32 $0xFFFFFFE0, v60  }
0x40d: {  	v3 =	vor.u32 v3, v4  }
0x40e: {  	v4 =	vperm.xlane v3, v0;
	_ =	sdelay $0x1  }
0x40f: {  	v4 =	vadd.s32 v1, v4;
	_ =	sdelay $0x1  }
0x410: {  	v3 =	vperm.xlane v3, v2;
	_ =	sdelay $0x1  }
0x411: {  	v3 =	vadd.s32 v1, v3  }
0x412: {  	[hbm4b:s2+s3] =	stream.indirect_vreg.scatter [tilespmem:s8], [sflag:$0x4], $0x80, v4, vm0, $0xb8;
	[tilespmem:$0x18800] =	vst v63  }
0x413: {  	s12 =	simm.s32 $0x1000  }
0x414: {  	[hbm4b:s5+s3] =	stream.indirect_vreg.scatter [tilespmem:s12], [sflag:$0x4], $0x80, v4, vm0, $0xb8;
	[tilespmem:$0x18800] =	vst v63  }
0x415: {  	s13 =	simm.s32 $0x1800  }
0x416: {  	[hbm4b:s2+s3] =	stream.indirect_vreg.scatter [tilespmem:s13], [sflag:$0x4], $0x80, v3, vm0, $0xb8;
	[tilespmem:$0x18800] =	vst v63  }
0x417: {  	s23 =	simm.s32 $0x2000  }
0x418: {  	[hbm4b:s5+s3] =	stream.indirect_vreg.scatter [tilespmem:s23], [sflag:$0x4], $0x80, v3, vm0, $0xb8;
	[tilespmem:$0x18800] =	vst v63  }
0x419: {  	v3 =	vld [tilespmem:$0x790];
	_ =	sdelay $0x4  }
0x41a: {  	v61 =	vshll.u32 v3, $0x2  }
0x41b: {  	v3 =	vand.u32 $0x7, v3;
	v4 =	vand.u32 $0xFFFFFFE0, v61  }
0x41c: {  	v3 =	vor.u32 v3, v4  }
0x41d: {  	v4 =	vperm.xlane v3, v0;
	_ =	sdelay $0x1  }
0x41e: {  	v4 =	vadd.s32 v1, v4;
	_ =	sdelay $0x1  }
0x41f: {  	v3 =	vperm.xlane v3, v2;
	_ =	sdelay $0x1  }
0x420: {  	s14 =	simm.s32 $0x2800;
	v3 =	vadd.s32 v1, v3  }
0x421: {  	[hbm4b:s2+s3] =	stream.indirect_vreg.scatter [tilespmem:s14], [sflag:$0x4], $0x80, v4, vm0, $0xb8;
	[tilespmem:$0x18800] =	vst v63  }
0x422: {  	s15 =	simm.s32 $0x3000  }
0x423: {  	[hbm4b:s5+s3] =	stream.indirect_vreg.scatter [tilespmem:s15], [sflag:$0x4], $0x80, v4, vm0, $0xb8;
	[tilespmem:$0x18800] =	vst v63  }
0x424: {  	s16 =	simm.s32 $0x3800  }
0x425: {  	[hbm4b:s2+s3] =	stream.indirect_vreg.scatter [tilespmem:s16], [sflag:$0x4], $0x80, v3, vm0, $0xb8;
	[tilespmem:$0x18800] =	vst v63  }
0x426: {  	s24 =	simm.s32 $0x4000  }
0x427: {  	[hbm4b:s5+s3] =	stream.indirect_vreg.scatter [tilespmem:s24], [sflag:$0x4], $0x80, v3, vm0, $0xb8;
	[tilespmem:$0x18800] =	vst v63  }
0x428: {  	v3 =	vld [tilespmem:$0x7A0];
	_ =	sdelay $0x4  }
0x429: {  	v62 =	vshll.u32 v3, $0x2  }
0x42a: {  	v3 =	vand.u32 $0x7, v3;
	v4 =	vand.u32 $0xFFFFFFE0, v62  }
0x42b: {  	v3 =	vor.u32 v3, v4  }
0x42c: {  	v4 =	vperm.xlane v3, v0;
	_ =	sdelay $0x1  }
0x42d: {  	v4 =	vadd.s32 v1, v4;
	_ =	sdelay $0x1  }
0x42e: {  	v3 =	vperm.xlane v3, v2;
	_ =	sdelay $0x1  }
0x42f: {  	s17 =	simm.s32 $0x4800;
	v3 =	vadd.s32 v1, v3  }
0x430: {  	[hbm4b:s2+s3] =	stream.indirect_vreg.scatter [tilespmem:s17], [sflag:$0x4], $0x80, v4, vm0, $0xb8;
	[tilespmem:$0x18800] =	vst v63  }
0x431: {  	s18 =	simm.s32 $0x5000  }
0x432: {  	[hbm4b:s5+s3] =	stream.indirect_vreg.scatter [tilespmem:s18], [sflag:$0x4], $0x80, v4, vm0, $0xb8;
	[tilespmem:$0x18800] =	vst v63  }
0x433: {  	s19 =	simm.s32 $0x5800  }
0x434: {  	[hbm4b:s2+s3] =	stream.indirect_vreg.scatter [tilespmem:s19], [sflag:$0x4], $0x80, v3, vm0, $0xb8;
	[tilespmem:$0x18800] =	vst v63  }
0x435: {  	s25 =	simm.s32 $0x6000  }
0x436: {  	[hbm4b:s5+s3] =	stream.indirect_vreg.scatter [tilespmem:s25], [sflag:$0x4], $0x80, v3, vm0, $0xb8;
	[tilespmem:$0x18800] =	vst v63  }
0x437: {  	v3 =	vld [tilespmem:$0x7B0];
	_ =	sdelay $0x4  }
0x438: {  	v63 =	vshll.u32 v3, $0x2  }
0x439: {  	v3 =	vand.u32 $0x7, v3;
	v4 =	vand.u32 $0xFFFFFFE0, v63  }
0x43a: {  	v3 =	vor.u32 v3, v4  }
0x43b: {  	v4 =	vperm.xlane v3, v0;
	_ =	sdelay $0x1  }
0x43c: {  	v4 =	vadd.s32 v1, v4;
	_ =	sdelay $0x1  }
0x43d: {  	v3 =	vperm.xlane v3, v2;
	_ =	sdelay $0x1  }
0x43e: {  	s20 =	simm.s32 $0x6800;
	v3 =	vadd.s32 v1, v3  }
0x43f: {  	[hbm4b:s2+s3] =	stream.indirect_vreg.scatter [tilespmem:s20], [sflag:$0x4], $0x80, v4, vm0, $0xb8;
	[tilespmem:$0x18800] =	vst v63  }
0x440: {  	s21 =	simm.s32 $0x7000  }
0x441: {  	[hbm4b:s5+s3] =	stream.indirect_vreg.scatter [tilespmem:s21], [sflag:$0x4], $0x80, v4, vm0, $0xb8;
	[tilespmem:$0x18800] =	vst v63  }
0x442: {  	s22 =	simm.s32 $0x7800  }
0x443: {  	[hbm4b:s2+s3] =	stream.indirect_vreg.scatter [tilespmem:s22], [sflag:$0x4], $0x80, v3, vm0, $0xb8;
	[tilespmem:$0x18800] =	vst v63  }
0x444: {  	s26 =	simm.s32 $0x8000  }
0x445: {  	[hbm4b:s5+s3] =	stream.indirect_vreg.scatter [tilespmem:s26], [sflag:$0x4], $0x80, v3, vm0, $0xb8;
	[tilespmem:$0x18800] =	vst v63  }
0x446: {  	_ =	swait.ge [sflag:s0], $0x8000  }
0x447: {  	[sflag:s0] =	ssyncset.done $0x0  }
0x448: {  	[sflag:s0] =	ssyncadd.s32 $0xFFFF8000  }
0x449: {  	p0 =	sne.s32 s6, $0x1;
	_ =	swait.ge [sflag:s1], $0x8000  }
.Ltmp0:
0x44a: {  	[sflag:s1] =	ssyncset.done $0x0;
	(pc) =	sbr.rel @p0 .LBB2_1-.Ltmp0, $4  }
0x44b: {  	[sflag:s1] =	ssyncadd.s32 $0xFFFF8000  }
0x44c: {  	_ =	swait.ge [sflag:s28], $0x8000  }
0x44d: {  	[sflag:s28] =	ssyncset.done $0x0  }
0x44e: {  	s6 =	sadd.s32 $0xFFFFFFFF, s6;
	[sflag:s28] =	ssyncadd.s32 $0xFFFF8000  }
0x44f: {  	_ =	sfence.sel $0x180000  }
0x450: {  	[bflag:$0x0] =	sbarrier.arrive $0xFFFF  }
0x451: {  	_ =	strace $0x90000047  }
0x452: {  	s0 =	stileid.u32;
	[bflag:$0x2] =	sbarrier.arrive $0xFFFF  }
0x453: {  	p0 =	sne.s32 s0, $0x0;
	s0 =	rddreg [dreg:$0x3]  }
0x454: {  	s0 =	sadd.s32 @!p0 $0x100000, s0  }
0x455: {  	[sflag:s0] =	ssyncadd.tile.s32 @!p0 $0x1;
	_ =	shalt  }
.Lfunc_end2:
_tile_overlayer_lowered:
.L_overlay_start_2:
0x456: {  	(tag) =	ssettag $0x2  }
0x457: {  	s0 =	rddreg [dreg:$0x0];
	s2 =	stileid.u32  }
0x458: {  	s1 =	rddreg [dreg:$0x1];
	p0 =	sne.s32 s2, $0x0  }
0x459: {  	s3 =	rddreg [dreg:$0x2];
	[bflag:$0x3] =	sbarrier.arrive $0xFFFF;
	s2 =	simm.s32 @!p0 $0x1C07  }
0x45a: {  	[timem:s3], [sflag:s2] =	dma.local @!p0 [hbm:s0], s1  }
0x45b: {  	s0 =	simm.s32 @!p0 $0x7  }
0x45c: {  	_ =	swait.ge @!p0 [sflag:s0], s1  }
0x45d: {  	s1 =	ssub.s32 @!p0 $0x0, s1;
	[sflag:s0] =	ssyncset.done @!p0 $0x0  }
0x45e: {  	[sflag:s0] =	ssyncadd.s32 @!p0 s1  }
0x45f: {  	[bflag:$0x3] =	sbarrier.arrive $0xFFFF  }
0x460: {  	_ =	shalt  }

</sc_bundles>
